<compile_context>
chip_gen: v7x
topology: tpu7x:2x2x1
jax: 0.10.2.dev20260603
libtpu: 0.0.44.dev20260713+nightly
codegen_flags: <defaults>
</compile_context>

<pallas_src>
import functools

import jax
import jax.numpy as jnp
from jax import lax
from jax.experimental import pallas as pl
from jax.experimental.pallas import tpu as pltpu
from jax.experimental.pallas import tpu_sc as plsc

K = 1024
D = 256
BETA = 0.25

TN = 4096


def _tc_body(x_ref, e2_ref, se2_ref, kio_ref, gold_ref,
             inds_ref, loss_ref, corr_ref):
    x = x_ref[...]
    e2 = e2_ref[...]
    mm2 = lax.dot_general(x, e2, (((1,), (1,)), ((), ())),
                          preferred_element_type=jnp.float32)
    sx2 = jnp.sum(x * x, axis=1, keepdims=True)
    dist = sx2 + se2_ref[...] - mm2
    mind = jnp.min(dist, axis=1, keepdims=True)
    inds = jnp.min(jnp.where(dist == mind, kio_ref[...], jnp.float32(K)),
                   axis=1, keepdims=True).astype(jnp.int32)
    inds_ref[...] = inds
    lv = mind * (1.0 / D)
    loss_ref[...] = lv + BETA * lv
    corr_ref[0, 0, 0] = jnp.sum((gold_ref[...] == inds).astype(jnp.int32))


def _tc_call(flat, e, se2, kio, gold, n_tiles):
    return pl.pallas_call(
        _tc_body,
        grid=(n_tiles,),
        in_specs=[
            pl.BlockSpec((TN, D), lambda i: (i, 0)),
            pl.BlockSpec((K, D), lambda i: (0, 0)),
            pl.BlockSpec((1, K), lambda i: (0, 0)),
            pl.BlockSpec((1, K), lambda i: (0, 0)),
            pl.BlockSpec((TN, 1), lambda i: (i, 0)),
        ],
        out_specs=[
            pl.BlockSpec((TN, 1), lambda i: (i, 0)),
            pl.BlockSpec((TN, 1), lambda i: (i, 0)),
            pl.BlockSpec((1, 1, 1), lambda i: (i, 0, 0), memory_space=pltpu.SMEM),
        ],
        out_shape=[
            jax.ShapeDtypeStruct((n_tiles * TN, 1), jnp.int32),
            jax.ShapeDtypeStruct((n_tiles * TN, 1), jnp.float32),
            jax.ShapeDtypeStruct((n_tiles, 1, 1), jnp.int32),
        ],
    )(flat, e, se2, kio, gold)


_SC_CHUNK = 128
_SC_NBUF = 3


def _make_sc_gather(n):
    info = plsc.get_sparse_core_info()
    nw = info.num_cores * info.num_subcores
    n_per_w = n // nw
    n_chunks = n_per_w // _SC_CHUNK
    mesh = plsc.VectorSubcoreMesh(core_axis_name="c", subcore_axis_name="s")

    @functools.partial(
        pl.kernel, mesh=mesh,
        out_type=jax.ShapeDtypeStruct((n, D), jnp.float32),
        scratch_types=[
            pltpu.VMEM((n_per_w // _SC_CHUNK, _SC_CHUNK), jnp.int32),
            pltpu.VMEM((_SC_NBUF, _SC_CHUNK, D), jnp.float32),
            pltpu.SemaphoreType.DMA,
            pltpu.SemaphoreType.DMA,
        ],
    )
    def gather(table_hbm, idx_hbm, out_hbm, idx_v, rows_v, gsem, osem):
        wid = lax.axis_index("s") * info.num_cores + lax.axis_index("c")
        base = wid * n_per_w

        pltpu.sync_copy(idx_hbm.at[wid], idx_v)

        gd = [None] * n_chunks
        od = [None] * n_chunks
        for i in range(n_chunks):
            b = i % _SC_NBUF
            if i >= _SC_NBUF:
                od[i - _SC_NBUF].wait()
            off = base + i * _SC_CHUNK
            gd[i] = pltpu.async_copy(table_hbm.at[idx_v.at[i]],
                                     rows_v.at[b], gsem)
            if i >= 1:
                gd[i - 1].wait()
                poff = base + (i - 1) * _SC_CHUNK
                od[i - 1] = pltpu.async_copy(
                    rows_v.at[(i - 1) % _SC_NBUF],
                    out_hbm.at[pl.ds(poff, _SC_CHUNK)], osem)
        gd[n_chunks - 1].wait()
        loff = base + (n_chunks - 1) * _SC_CHUNK
        od[n_chunks - 1] = pltpu.async_copy(
            rows_v.at[(n_chunks - 1) % _SC_NBUF],
            out_hbm.at[pl.ds(loff, _SC_CHUNK)], osem)
        for i in range(max(0, n_chunks - _SC_NBUF), n_chunks):
            if od[i] is not None:
                od[i].wait()

    return gather


def kernel(gold_encoding_inds, latents, epc, embedding_weight):
    b, t, d = latents.shape
    n = b * t
    flat = latents.reshape(n, d)
    se2 = jnp.sum(embedding_weight ** 2, axis=1)[None, :]
    kio = jnp.arange(K, dtype=jnp.float32)[None, :]
    gold = gold_encoding_inds.astype(jnp.int32)

    inds2d, loss2d, corr_part = _tc_call(flat, embedding_weight + embedding_weight,
                                         se2, kio, gold, n // TN)
    inds = inds2d.reshape(n)
    info = plsc.get_sparse_core_info()
    nw = info.num_cores * info.num_subcores
    idx3d = inds.reshape(nw, (n // nw) // _SC_CHUNK, _SC_CHUNK)
    quant = _make_sc_gather(n)(embedding_weight, idx3d)

    quantized_latents = quant.reshape(b, t, d)
    vq_loss = loss2d.reshape(b, t)
    correct = jnp.sum(corr_part)
    return (quantized_latents, vq_loss, inds.reshape(1, n), correct, n)

# --- scband reference (transcript-rebuilt; emitter-appended) ---
"""Pipeline reference for scband-vector-quantizer-63668595196458 (READ-ONLY COPY).

The authoritative reference and input builder live on the scoring server;
editing this copy changes nothing except your own understanding.
"""

import jax, jax.numpy as jnp
import numpy as np

K = 1024
D = 256
BETA = 0.25
B = 64
T = 576


def setup_inputs(seed: int = 0) -> dict:
    key = jax.random.key(seed)
    k1, k2, k3 = jax.random.split(key, 3)
    gold_encoding_inds = jax.random.randint(k1, (B * T, 1), 0, K, dtype=jnp.int64 if jax.config.jax_enable_x64 else jnp.int32).astype(jnp.int32)
    latents = jax.random.normal(k2, (B, T, D), dtype=jnp.float32)
    embedding_weight = jax.random.uniform(k3, (K, D), dtype=jnp.float32, minval=-1.0 / K, maxval=1.0 / K)
    return {"gold_encoding_inds": gold_encoding_inds, "latents": latents, "epc": 1, "embedding_weight": embedding_weight}


def reference(gold_encoding_inds, latents, epc, embedding_weight):
    latents_shape = latents.shape
    b, t, emb_dim = latents.shape
    flat_latents = latents.reshape(b * t, D)
    # dist[n, k] = ||x_n||^2 + ||e_k||^2 - 2 <x_n, e_k>
    dist = (jnp.sum(flat_latents ** 2, axis=1, keepdims=True)
            + jnp.sum(embedding_weight ** 2, axis=1)
            - 2.0 * jnp.matmul(flat_latents, embedding_weight.T))
    encoding_inds = jnp.argmin(dist, axis=1)[:, None]
    n = encoding_inds.shape[0]
    # scatter one-hot (mirrors torch scatter_)
    encoding_one_hot = jnp.zeros((n, K), dtype=latents.dtype).at[jnp.arange(n), encoding_inds[:, 0]].set(1.0)
    quantized_latents = jnp.matmul(encoding_one_hot, embedding_weight).reshape(latents_shape)
    commitment_loss = jnp.mean((jax.lax.stop_gradient(quantized_latents) - latents) ** 2, axis=-1)
    embedding_loss = jnp.mean((quantized_latents - jax.lax.stop_gradient(latents)) ** 2, axis=-1)
    vq_loss = embedding_loss + BETA * commitment_loss
    quantized_latents = latents + jax.lax.stop_gradient(quantized_latents - latents)
    correct_entry_selection = jnp.sum(gold_encoding_inds.astype(jnp.int32) == encoding_inds.astype(jnp.int32))
    total_entry_selection = gold_encoding_inds.shape[0]
    return (quantized_latents, vq_loss, encoding_inds.T, correct_entry_selection, total_entry_selection)

if __name__ == "__main__":
    import jax
    _d = setup_inputs()
    print(jax.jit(kernel)(*tuple(_d.values())))

</pallas_src>

<mosaic_0001>
#map = affine_map<(d0, d1) -> (0, 0)>
#map1 = affine_map<(d0, d1) -> (0, 0, 0)>
module attributes {stable_mosaic.version = 14 : i64} {
  func.func @gather(%arg0: i32, %arg1: i32, %arg2: memref<1024x256xf32, #tpu.memory_space<hbm>>, %arg3: memref<32x9x128xi32, #tpu.memory_space<hbm>>, %arg4: memref<36864x256xf32, #tpu.memory_space<hbm>>, %arg5: memref<9x128xi32, #tpu.memory_space<vmem>>, %arg6: memref<3x128x256xf32, #tpu.memory_space<vmem>>, %arg7: memref<!tpu.dma_semaphore, #tpu.memory_space<semaphore_mem>>, %arg8: memref<!tpu.dma_semaphore, #tpu.memory_space<semaphore_mem>>) attributes {dimension_semantics = [#tpu.dimension_semantics<core_parallel>, #tpu.dimension_semantics<subcore_parallel>], iteration_bounds = array<i64: 2, 16>, scalar_prefetch = 0 : i64, scratch_operands = 4 : i64, tpu.core_type = #tpu.core_type<sc_vector_subcore>, window_params = [{transform_indices = #map}, {transform_indices = #map1}, {transform_indices = #map}]} {
    %mul3A = arith.constant 2 : i32
    %mul3A_0 = arith.muli %arg1, %mul3A : i32
    %add3A = arith.addi %mul3A_0, %arg0 : i32
    %mul3A_1 = arith.constant 1152 : i32
    %mul3A_2 = arith.muli %add3A, %mul3A_1 : i32
    "tpu.region"() ({
      %run_scoped3A = tpu.sem_alloc : memref<!tpu.dma_semaphore, #tpu.memory_space<semaphore_mem>>
      %dma_start3A_487 = arith.constant 0 : i32
      %dma_start3A_488 = arith.constant 0 : i32
      %dma_start3A_489 = tpu.memref_slice %arg3[%add3A, %dma_start3A_487, %dma_start3A_488] : memref<32x9x128xi32, #tpu.memory_space<hbm>> -> memref<1x9x128xi32, #tpu.memory_space<hbm>>
      %dma_start3A_490 = tpu.memref_squeeze %dma_start3A_489 : memref<1x9x128xi32, #tpu.memory_space<hbm>> -> memref<9x128xi32, #tpu.memory_space<hbm>>
      %dma_start3A_491 = arith.constant 0 : i32
      %dma_start3A_492 = arith.constant 0 : i32
      %dma_start3A_493 = tpu.memref_slice %arg3[%add3A, %dma_start3A_491, %dma_start3A_492] : memref<32x9x128xi32, #tpu.memory_space<hbm>> -> memref<1x9x128xi32, #tpu.memory_space<hbm>>
      %dma_start3A_494 = tpu.memref_squeeze %dma_start3A_493 : memref<1x9x128xi32, #tpu.memory_space<hbm>> -> memref<9x128xi32, #tpu.memory_space<hbm>>
      tpu.enqueue_dma source(%dma_start3A_494 : memref<9x128xi32, #tpu.memory_space<hbm>>) target(%arg5 : memref<9x128xi32, #tpu.memory_space<vmem>>) target_semaphore(%run_scoped3A : memref<!tpu.dma_semaphore, #tpu.memory_space<semaphore_mem>>)
      %dma_wait3A_495 = arith.constant 0 : i32
      %dma_wait3A_496 = arith.constant 0 : i32
      %dma_wait3A_497 = tpu.memref_slice %arg3[%add3A, %dma_wait3A_495, %dma_wait3A_496] : memref<32x9x128xi32, #tpu.memory_space<hbm>> -> memref<1x9x128xi32, #tpu.memory_space<hbm>>
      %dma_wait3A_498 = tpu.memref_squeeze %dma_wait3A_497 : memref<1x9x128xi32, #tpu.memory_space<hbm>> -> memref<9x128xi32, #tpu.memory_space<hbm>>
      %dma_wait3A_499 = arith.constant 0 : i32
      %dma_wait3A_500 = arith.constant 0 : i32
      %dma_wait3A_501 = tpu.memref_slice %arg3[%add3A, %dma_wait3A_499, %dma_wait3A_500] : memref<32x9x128xi32, #tpu.memory_space<hbm>> -> memref<1x9x128xi32, #tpu.memory_space<hbm>>
      %dma_wait3A_502 = tpu.memref_squeeze %dma_wait3A_501 : memref<1x9x128xi32, #tpu.memory_space<hbm>> -> memref<9x128xi32, #tpu.memory_space<hbm>>
      tpu.wait_dma2 semaphore(%run_scoped3A : memref<!tpu.dma_semaphore, #tpu.memory_space<semaphore_mem>>) src(%dma_wait3A_502 : memref<9x128xi32, #tpu.memory_space<hbm>>) dst(%arg5 : memref<9x128xi32, #tpu.memory_space<vmem>>)
      tpu.yield
    }) : () -> ()
    %add3A_3 = arith.constant 0 : i32
    %add3A_4 = arith.addi %mul3A_2, %add3A_3 : i32
    %dma_start3A = arith.constant 0 : i32
    %dma_start3A_5 = arith.constant 0 : i32
    %dma_start3A_6 = arith.constant 0 : i32
    %dma_start3A_7 = arith.constant 0 : i32
    %dma_start3A_8 = tpu.memref_slice %arg6[%dma_start3A_5, %dma_start3A_6, %dma_start3A_7] : memref<3x128x256xf32, #tpu.memory_space<vmem>> -> memref<1x128x256xf32, #tpu.memory_space<vmem>>
    %dma_start3A_9 = tpu.memref_squeeze %dma_start3A_8 : memref<1x128x256xf32, #tpu.memory_space<vmem>> -> memref<128x256xf32, #tpu.memory_space<vmem>>
    %dma_start3A_10 = arith.constant 0 : i32
    %dma_start3A_11 = tpu.memref_slice %arg5[%dma_start3A, %dma_start3A_10] : memref<9x128xi32, #tpu.memory_space<vmem>> -> memref<1x128xi32, #tpu.memory_space<vmem>>
    %dma_start3A_12 = tpu.memref_squeeze %dma_start3A_11 : memref<1x128xi32, #tpu.memory_space<vmem>> -> memref<128xi32, #tpu.memory_space<vmem>>
    %dma_start3A_13 = arith.constant 0 : i32
    %dma_start3A_14 = arith.constant 0 : i32
    %dma_start3A_15 = tpu.memref_slice %arg2[%dma_start3A_13, %dma_start3A_14] : memref<1024x256xf32, #tpu.memory_space<hbm>> -> memref<1024x256xf32, #tpu.memory_space<hbm>>
    tpu.enqueue_indirect_dma source(%dma_start3A_15 : memref<1024x256xf32, #tpu.memory_space<hbm>>) target(%dma_start3A_9 : memref<128x256xf32, #tpu.memory_space<vmem>>) offsets(%dma_start3A_12 : memref<128xi32, #tpu.memory_space<vmem>>) semaphore(%arg7 : memref<!tpu.dma_semaphore, #tpu.memory_space<semaphore_mem>>)
    %add3A_16 = arith.constant 128 : i32
    %add3A_17 = arith.addi %mul3A_2, %add3A_16 : i32
    %dma_start3A_18 = arith.constant 1 : i32
    %dma_start3A_19 = arith.constant 1 : i32
    %dma_start3A_20 = arith.constant 0 : i32
    %dma_start3A_21 = arith.constant 0 : i32
    %dma_start3A_22 = tpu.memref_slice %arg6[%dma_start3A_19, %dma_start3A_20, %dma_start3A_21] : memref<3x128x256xf32, #tpu.memory_space<vmem>> -> memref<1x128x256xf32, #tpu.memory_space<vmem>>
    %dma_start3A_23 = tpu.memref_squeeze %dma_start3A_22 : memref<1x128x256xf32, #tpu.memory_space<vmem>> -> memref<128x256xf32, #tpu.memory_space<vmem>>
    %dma_start3A_24 = arith.constant 0 : i32
    %dma_start3A_25 = tpu.memref_slice %arg5[%dma_start3A_18, %dma_start3A_24] : memref<9x128xi32, #tpu.memory_space<vmem>> -> memref<1x128xi32, #tpu.memory_space<vmem>>
    %dma_start3A_26 = tpu.memref_squeeze %dma_start3A_25 : memref<1x128xi32, #tpu.memory_space<vmem>> -> memref<128xi32, #tpu.memory_space<vmem>>
    %dma_start3A_27 = arith.constant 0 : i32
    %dma_start3A_28 = arith.constant 0 : i32
    %dma_start3A_29 = tpu.memref_slice %arg2[%dma_start3A_27, %dma_start3A_28] : memref<1024x256xf32, #tpu.memory_space<hbm>> -> memref<1024x256xf32, #tpu.memory_space<hbm>>
    tpu.enqueue_indirect_dma source(%dma_start3A_29 : memref<1024x256xf32, #tpu.memory_space<hbm>>) target(%dma_start3A_23 : memref<128x256xf32, #tpu.memory_space<vmem>>) offsets(%dma_start3A_26 : memref<128xi32, #tpu.memory_space<vmem>>) semaphore(%arg7 : memref<!tpu.dma_semaphore, #tpu.memory_space<semaphore_mem>>)
    %dma_wait3A = arith.constant 0 : i32
    %dma_wait3A_30 = arith.constant 0 : i32
    %dma_wait3A_31 = arith.constant 0 : i32
    %dma_wait3A_32 = arith.constant 0 : i32
    %dma_wait3A_33 = tpu.memref_slice %arg6[%dma_wait3A_30, %dma_wait3A_31, %dma_wait3A_32] : memref<3x128x256xf32, #tpu.memory_space<vmem>> -> memref<1x128x256xf32, #tpu.memory_space<vmem>>
    %dma_wait3A_34 = tpu.memref_squeeze %dma_wait3A_33 : memref<1x128x256xf32, #tpu.memory_space<vmem>> -> memref<128x256xf32, #tpu.memory_space<vmem>>
    %dma_wait3A_35 = arith.constant 0 : i32
    %dma_wait3A_36 = tpu.memref_slice %arg5[%dma_wait3A, %dma_wait3A_35] : memref<9x128xi32, #tpu.memory_space<vmem>> -> memref<1x128xi32, #tpu.memory_space<vmem>>
    %dma_wait3A_37 = tpu.memref_squeeze %dma_wait3A_36 : memref<1x128xi32, #tpu.memory_space<vmem>> -> memref<128xi32, #tpu.memory_space<vmem>>
    %dma_wait3A_38 = arith.constant 0 : i32
    %dma_wait3A_39 = arith.constant 0 : i32
    %dma_wait3A_40 = tpu.memref_slice %arg2[%dma_wait3A_38, %dma_wait3A_39] : memref<1024x256xf32, #tpu.memory_space<hbm>> -> memref<1024x256xf32, #tpu.memory_space<hbm>>
    tpu.wait_indirect_dma semaphore(%arg7 : memref<!tpu.dma_semaphore, #tpu.memory_space<semaphore_mem>>) src(%dma_wait3A_40 : memref<1024x256xf32, #tpu.memory_space<hbm>>) dst(%dma_wait3A_34 : memref<128x256xf32, #tpu.memory_space<vmem>>)
    %add3A_41 = arith.constant 0 : i32
    %add3A_42 = arith.addi %mul3A_2, %add3A_41 : i32
    %dma_start3A_43 = arith.constant 0 : i32
    %dma_start3A_44 = arith.constant 0 : i32
    %dma_start3A_45 = arith.constant 0 : i32
    %dma_start3A_46 = tpu.memref_slice %arg6[%dma_start3A_43, %dma_start3A_44, %dma_start3A_45] : memref<3x128x256xf32, #tpu.memory_space<vmem>> -> memref<1x128x256xf32, #tpu.memory_space<vmem>>
    %dma_start3A_47 = tpu.memref_squeeze %dma_start3A_46 : memref<1x128x256xf32, #tpu.memory_space<vmem>> -> memref<128x256xf32, #tpu.memory_space<vmem>>
    %dma_start3A_48 = arith.constant 0 : i32
    %dma_start3A_49 = tpu.memref_slice %arg4[%add3A_42, %dma_start3A_48] : memref<36864x256xf32, #tpu.memory_space<hbm>> -> memref<128x256xf32, #tpu.memory_space<hbm>>
    %dma_start3A_50 = arith.constant 0 : i32
    %dma_start3A_51 = tpu.memref_slice %arg4[%add3A_42, %dma_start3A_50] : memref<36864x256xf32, #tpu.memory_space<hbm>> -> memref<128x256xf32, #tpu.memory_space<hbm>>
    %dma_start3A_52 = arith.constant 0 : i32
    %dma_start3A_53 = arith.constant 0 : i32
    %dma_start3A_54 = tpu.memref_slice %arg6[%dma_start3A_43, %dma_start3A_52, %dma_start3A_53] : memref<3x128x256xf32, #tpu.memory_space<vmem>> -> memref<1x128x256xf32, #tpu.memory_space<vmem>>
    %dma_start3A_55 = tpu.memref_squeeze %dma_start3A_54 : memref<1x128x256xf32, #tpu.memory_space<vmem>> -> memref<128x256xf32, #tpu.memory_space<vmem>>
    tpu.enqueue_dma source(%dma_start3A_55 : memref<128x256xf32, #tpu.memory_space<vmem>>) target(%dma_start3A_51 : memref<128x256xf32, #tpu.memory_space<hbm>>) target_semaphore(%arg8 : memref<!tpu.dma_semaphore, #tpu.memory_space<semaphore_mem>>)
    %add3A_56 = arith.constant 256 : i32
    %add3A_57 = arith.addi %mul3A_2, %add3A_56 : i32
    %dma_start3A_58 = arith.constant 2 : i32
    %dma_start3A_59 = arith.constant 2 : i32
    %dma_start3A_60 = arith.constant 0 : i32
    %dma_start3A_61 = arith.constant 0 : i32
    %dma_start3A_62 = tpu.memref_slice %arg6[%dma_start3A_59, %dma_start3A_60, %dma_start3A_61] : memref<3x128x256xf32, #tpu.memory_space<vmem>> -> memref<1x128x256xf32, #tpu.memory_space<vmem>>
    %dma_start3A_63 = tpu.memref_squeeze %dma_start3A_62 : memref<1x128x256xf32, #tpu.memory_space<vmem>> -> memref<128x256xf32, #tpu.memory_space<vmem>>
    %dma_start3A_64 = arith.constant 0 : i32
    %dma_start3A_65 = tpu.memref_slice %arg5[%dma_start3A_58, %dma_start3A_64] : memref<9x128xi32, #tpu.memory_space<vmem>> -> memref<1x128xi32, #tpu.memory_space<vmem>>
    %dma_start3A_66 = tpu.memref_squeeze %dma_start3A_65 : memref<1x128xi32, #tpu.memory_space<vmem>> -> memref<128xi32, #tpu.memory_space<vmem>>
    %dma_start3A_67 = arith.constant 0 : i32
    %dma_start3A_68 = arith.constant 0 : i32
    %dma_start3A_69 = tpu.memref_slice %arg2[%dma_start3A_67, %dma_start3A_68] : memref<1024x256xf32, #tpu.memory_space<hbm>> -> memref<1024x256xf32, #tpu.memory_space<hbm>>
    tpu.enqueue_indirect_dma source(%dma_start3A_69 : memref<1024x256xf32, #tpu.memory_space<hbm>>) target(%dma_start3A_63 : memref<128x256xf32, #tpu.memory_space<vmem>>) offsets(%dma_start3A_66 : memref<128xi32, #tpu.memory_space<vmem>>) semaphore(%arg7 : memref<!tpu.dma_semaphore, #tpu.memory_space<semaphore_mem>>)
    %dma_wait3A_70 = arith.constant 1 : i32
    %dma_wait3A_71 = arith.constant 1 : i32
    %dma_wait3A_72 = arith.constant 0 : i32
    %dma_wait3A_73 = arith.constant 0 : i32
    %dma_wait3A_74 = tpu.memref_slice %arg6[%dma_wait3A_71, %dma_wait3A_72, %dma_wait3A_73] : memref<3x128x256xf32, #tpu.memory_space<vmem>> -> memref<1x128x256xf32, #tpu.memory_space<vmem>>
    %dma_wait3A_75 = tpu.memref_squeeze %dma_wait3A_74 : memref<1x128x256xf32, #tpu.memory_space<vmem>> -> memref<128x256xf32, #tpu.memory_space<vmem>>
    %dma_wait3A_76 = arith.constant 0 : i32
    %dma_wait3A_77 = tpu.memref_slice %arg5[%dma_wait3A_70, %dma_wait3A_76] : memref<9x128xi32, #tpu.memory_space<vmem>> -> memref<1x128xi32, #tpu.memory_space<vmem>>
    %dma_wait3A_78 = tpu.memref_squeeze %dma_wait3A_77 : memref<1x128xi32, #tpu.memory_space<vmem>> -> memref<128xi32, #tpu.memory_space<vmem>>
    %dma_wait3A_79 = arith.constant 0 : i32
    %dma_wait3A_80 = arith.constant 0 : i32
    %dma_wait3A_81 = tpu.memref_slice %arg2[%dma_wait3A_79, %dma_wait3A_80] : memref<1024x256xf32, #tpu.memory_space<hbm>> -> memref<1024x256xf32, #tpu.memory_space<hbm>>
    tpu.wait_indirect_dma semaphore(%arg7 : memref<!tpu.dma_semaphore, #tpu.memory_space<semaphore_mem>>) src(%dma_wait3A_81 : memref<1024x256xf32, #tpu.memory_space<hbm>>) dst(%dma_wait3A_75 : memref<128x256xf32, #tpu.memory_space<vmem>>)
    %add3A_82 = arith.constant 128 : i32
    %add3A_83 = arith.addi %mul3A_2, %add3A_82 : i32
    %dma_start3A_84 = arith.constant 1 : i32
    %dma_start3A_85 = arith.constant 0 : i32
    %dma_start3A_86 = arith.constant 0 : i32
    %dma_start3A_87 = tpu.memref_slice %arg6[%dma_start3A_84, %dma_start3A_85, %dma_start3A_86] : memref<3x128x256xf32, #tpu.memory_space<vmem>> -> memref<1x128x256xf32, #tpu.memory_space<vmem>>
    %dma_start3A_88 = tpu.memref_squeeze %dma_start3A_87 : memref<1x128x256xf32, #tpu.memory_space<vmem>> -> memref<128x256xf32, #tpu.memory_space<vmem>>
    %dma_start3A_89 = arith.constant 0 : i32
    %dma_start3A_90 = tpu.memref_slice %arg4[%add3A_83, %dma_start3A_89] : memref<36864x256xf32, #tpu.memory_space<hbm>> -> memref<128x256xf32, #tpu.memory_space<hbm>>
    %dma_start3A_91 = arith.constant 0 : i32
    %dma_start3A_92 = tpu.memref_slice %arg4[%add3A_83, %dma_start3A_91] : memref<36864x256xf32, #tpu.memory_space<hbm>> -> memref<128x256xf32, #tpu.memory_space<hbm>>
    %dma_start3A_93 = arith.constant 0 : i32
    %dma_start3A_94 = arith.constant 0 : i32
    %dma_start3A_95 = tpu.memref_slice %arg6[%dma_start3A_84, %dma_start3A_93, %dma_start3A_94] : memref<3x128x256xf32, #tpu.memory_space<vmem>> -> memref<1x128x256xf32, #tpu.memory_space<vmem>>
    %dma_start3A_96 = tpu.memref_squeeze %dma_start3A_95 : memref<1x128x256xf32, #tpu.memory_space<vmem>> -> memref<128x256xf32, #tpu.memory_space<vmem>>
    tpu.enqueue_dma source(%dma_start3A_96 : memref<128x256xf32, #tpu.memory_space<vmem>>) target(%dma_start3A_92 : memref<128x256xf32, #tpu.memory_space<hbm>>) target_semaphore(%arg8 : memref<!tpu.dma_semaphore, #tpu.memory_space<semaphore_mem>>)
    %dma_wait3A_97 = arith.constant 0 : i32
    %dma_wait3A_98 = arith.constant 0 : i32
    %dma_wait3A_99 = arith.constant 0 : i32
    %dma_wait3A_100 = tpu.memref_slice %arg6[%dma_wait3A_97, %dma_wait3A_98, %dma_wait3A_99] : memref<3x128x256xf32, #tpu.memory_space<vmem>> -> memref<1x128x256xf32, #tpu.memory_space<vmem>>
    %dma_wait3A_101 = tpu.memref_squeeze %dma_wait3A_100 : memref<1x128x256xf32, #tpu.memory_space<vmem>> -> memref<128x256xf32, #tpu.memory_space<vmem>>
    %dma_wait3A_102 = arith.constant 0 : i32
    %dma_wait3A_103 = tpu.memref_slice %arg4[%add3A_42, %dma_wait3A_102] : memref<36864x256xf32, #tpu.memory_space<hbm>> -> memref<128x256xf32, #tpu.memory_space<hbm>>
    %dma_wait3A_104 = arith.constant 0 : i32
    %dma_wait3A_105 = tpu.memref_slice %arg4[%add3A_42, %dma_wait3A_104] : memref<36864x256xf32, #tpu.memory_space<hbm>> -> memref<128x256xf32, #tpu.memory_space<hbm>>
    %dma_wait3A_106 = arith.constant 0 : i32
    %dma_wait3A_107 = arith.constant 0 : i32
    %dma_wait3A_108 = tpu.memref_slice %arg6[%dma_wait3A_97, %dma_wait3A_106, %dma_wait3A_107] : memref<3x128x256xf32, #tpu.memory_space<vmem>> -> memref<1x128x256xf32, #tpu.memory_space<vmem>>
    %dma_wait3A_109 = tpu.memref_squeeze %dma_wait3A_108 : memref<1x128x256xf32, #tpu.memory_space<vmem>> -> memref<128x256xf32, #tpu.memory_space<vmem>>
    tpu.wait_dma2 semaphore(%arg8 : memref<!tpu.dma_semaphore, #tpu.memory_space<semaphore_mem>>) src(%dma_wait3A_109 : memref<128x256xf32, #tpu.memory_space<vmem>>) dst(%dma_wait3A_105 : memref<128x256xf32, #tpu.memory_space<hbm>>)
    %add3A_110 = arith.constant 384 : i32
    %add3A_111 = arith.addi %mul3A_2, %add3A_110 : i32
    %dma_start3A_112 = arith.constant 3 : i32
    %dma_start3A_113 = arith.constant 0 : i32
    %dma_start3A_114 = arith.constant 0 : i32
    %dma_start3A_115 = arith.constant 0 : i32
    %dma_start3A_116 = tpu.memref_slice %arg6[%dma_start3A_113, %dma_start3A_114, %dma_start3A_115] : memref<3x128x256xf32, #tpu.memory_space<vmem>> -> memref<1x128x256xf32, #tpu.memory_space<vmem>>
    %dma_start3A_117 = tpu.memref_squeeze %dma_start3A_116 : memref<1x128x256xf32, #tpu.memory_space<vmem>> -> memref<128x256xf32, #tpu.memory_space<vmem>>
    %dma_start3A_118 = arith.constant 0 : i32
    %dma_start3A_119 = tpu.memref_slice %arg5[%dma_start3A_112, %dma_start3A_118] : memref<9x128xi32, #tpu.memory_space<vmem>> -> memref<1x128xi32, #tpu.memory_space<vmem>>
    %dma_start3A_120 = tpu.memref_squeeze %dma_start3A_119 : memref<1x128xi32, #tpu.memory_space<vmem>> -> memref<128xi32, #tpu.memory_space<vmem>>
    %dma_start3A_121 = arith.constant 0 : i32
    %dma_start3A_122 = arith.constant 0 : i32
    %dma_start3A_123 = tpu.memref_slice %arg2[%dma_start3A_121, %dma_start3A_122] : memref<1024x256xf32, #tpu.memory_space<hbm>> -> memref<1024x256xf32, #tpu.memory_space<hbm>>
    tpu.enqueue_indirect_dma source(%dma_start3A_123 : memref<1024x256xf32, #tpu.memory_space<hbm>>) target(%dma_start3A_117 : memref<128x256xf32, #tpu.memory_space<vmem>>) offsets(%dma_start3A_120 : memref<128xi32, #tpu.memory_space<vmem>>) semaphore(%arg7 : memref<!tpu.dma_semaphore, #tpu.memory_space<semaphore_mem>>)
    %dma_wait3A_124 = arith.constant 2 : i32
    %dma_wait3A_125 = arith.constant 2 : i32
    %dma_wait3A_126 = arith.constant 0 : i32
    %dma_wait3A_127 = arith.constant 0 : i32
    %dma_wait3A_128 = tpu.memref_slice %arg6[%dma_wait3A_125, %dma_wait3A_126, %dma_wait3A_127] : memref<3x128x256xf32, #tpu.memory_space<vmem>> -> memref<1x128x256xf32, #tpu.memory_space<vmem>>
    %dma_wait3A_129 = tpu.memref_squeeze %dma_wait3A_128 : memref<1x128x256xf32, #tpu.memory_space<vmem>> -> memref<128x256xf32, #tpu.memory_space<vmem>>
    %dma_wait3A_130 = arith.constant 0 : i32
    %dma_wait3A_131 = tpu.memref_slice %arg5[%dma_wait3A_124, %dma_wait3A_130] : memref<9x128xi32, #tpu.memory_space<vmem>> -> memref<1x128xi32, #tpu.memory_space<vmem>>
    %dma_wait3A_132 = tpu.memref_squeeze %dma_wait3A_131 : memref<1x128xi32, #tpu.memory_space<vmem>> -> memref<128xi32, #tpu.memory_space<vmem>>
    %dma_wait3A_133 = arith.constant 0 : i32
    %dma_wait3A_134 = arith.constant 0 : i32
    %dma_wait3A_135 = tpu.memref_slice %arg2[%dma_wait3A_133, %dma_wait3A_134] : memref<1024x256xf32, #tpu.memory_space<hbm>> -> memref<1024x256xf32, #tpu.memory_space<hbm>>
    tpu.wait_indirect_dma semaphore(%arg7 : memref<!tpu.dma_semaphore, #tpu.memory_space<semaphore_mem>>) src(%dma_wait3A_135 : memref<1024x256xf32, #tpu.memory_space<hbm>>) dst(%dma_wait3A_129 : memref<128x256xf32, #tpu.memory_space<vmem>>)
    %add3A_136 = arith.constant 256 : i32
    %add3A_137 = arith.addi %mul3A_2, %add3A_136 : i32
    %dma_start3A_138 = arith.constant 2 : i32
    %dma_start3A_139 = arith.constant 0 : i32
    %dma_start3A_140 = arith.constant 0 : i32
    %dma_start3A_141 = tpu.memref_slice %arg6[%dma_start3A_138, %dma_start3A_139, %dma_start3A_140] : memref<3x128x256xf32, #tpu.memory_space<vmem>> -> memref<1x128x256xf32, #tpu.memory_space<vmem>>
    %dma_start3A_142 = tpu.memref_squeeze %dma_start3A_141 : memref<1x128x256xf32, #tpu.memory_space<vmem>> -> memref<128x256xf32, #tpu.memory_space<vmem>>
    %dma_start3A_143 = arith.constant 0 : i32
    %dma_start3A_144 = tpu.memref_slice %arg4[%add3A_137, %dma_start3A_143] : memref<36864x256xf32, #tpu.memory_space<hbm>> -> memref<128x256xf32, #tpu.memory_space<hbm>>
    %dma_start3A_145 = arith.constant 0 : i32
    %dma_start3A_146 = tpu.memref_slice %arg4[%add3A_137, %dma_start3A_145] : memref<36864x256xf32, #tpu.memory_space<hbm>> -> memref<128x256xf32, #tpu.memory_space<hbm>>
    %dma_start3A_147 = arith.constant 0 : i32
    %dma_start3A_148 = arith.constant 0 : i32
    %dma_start3A_149 = tpu.memref_slice %arg6[%dma_start3A_138, %dma_start3A_147, %dma_start3A_148] : memref<3x128x256xf32, #tpu.memory_space<vmem>> -> memref<1x128x256xf32, #tpu.memory_space<vmem>>
    %dma_start3A_150 = tpu.memref_squeeze %dma_start3A_149 : memref<1x128x256xf32, #tpu.memory_space<vmem>> -> memref<128x256xf32, #tpu.memory_space<vmem>>
    tpu.enqueue_dma source(%dma_start3A_150 : memref<128x256xf32, #tpu.memory_space<vmem>>) target(%dma_start3A_146 : memref<128x256xf32, #tpu.memory_space<hbm>>) target_semaphore(%arg8 : memref<!tpu.dma_semaphore, #tpu.memory_space<semaphore_mem>>)
    %dma_wait3A_151 = arith.constant 1 : i32
    %dma_wait3A_152 = arith.constant 0 : i32
    %dma_wait3A_153 = arith.constant 0 : i32
    %dma_wait3A_154 = tpu.memref_slice %arg6[%dma_wait3A_151, %dma_wait3A_152, %dma_wait3A_153] : memref<3x128x256xf32, #tpu.memory_space<vmem>> -> memref<1x128x256xf32, #tpu.memory_space<vmem>>
    %dma_wait3A_155 = tpu.memref_squeeze %dma_wait3A_154 : memref<1x128x256xf32, #tpu.memory_space<vmem>> -> memref<128x256xf32, #tpu.memory_space<vmem>>
    %dma_wait3A_156 = arith.constant 0 : i32
    %dma_wait3A_157 = tpu.memref_slice %arg4[%add3A_83, %dma_wait3A_156] : memref<36864x256xf32, #tpu.memory_space<hbm>> -> memref<128x256xf32, #tpu.memory_space<hbm>>
    %dma_wait3A_158 = arith.constant 0 : i32
    %dma_wait3A_159 = tpu.memref_slice %arg4[%add3A_83, %dma_wait3A_158] : memref<36864x256xf32, #tpu.memory_space<hbm>> -> memref<128x256xf32, #tpu.memory_space<hbm>>
    %dma_wait3A_160 = arith.constant 0 : i32
    %dma_wait3A_161 = arith.constant 0 : i32
    %dma_wait3A_162 = tpu.memref_slice %arg6[%dma_wait3A_151, %dma_wait3A_160, %dma_wait3A_161] : memref<3x128x256xf32, #tpu.memory_space<vmem>> -> memref<1x128x256xf32, #tpu.memory_space<vmem>>
    %dma_wait3A_163 = tpu.memref_squeeze %dma_wait3A_162 : memref<1x128x256xf32, #tpu.memory_space<vmem>> -> memref<128x256xf32, #tpu.memory_space<vmem>>
    tpu.wait_dma2 semaphore(%arg8 : memref<!tpu.dma_semaphore, #tpu.memory_space<semaphore_mem>>) src(%dma_wait3A_163 : memref<128x256xf32, #tpu.memory_space<vmem>>) dst(%dma_wait3A_159 : memref<128x256xf32, #tpu.memory_space<hbm>>)
    %add3A_164 = arith.constant 512 : i32
    %add3A_165 = arith.addi %mul3A_2, %add3A_164 : i32
    %dma_start3A_166 = arith.constant 4 : i32
    %dma_start3A_167 = arith.constant 1 : i32
    %dma_start3A_168 = arith.constant 0 : i32
    %dma_start3A_169 = arith.constant 0 : i32
    %dma_start3A_170 = tpu.memref_slice %arg6[%dma_start3A_167, %dma_start3A_168, %dma_start3A_169] : memref<3x128x256xf32, #tpu.memory_space<vmem>> -> memref<1x128x256xf32, #tpu.memory_space<vmem>>
    %dma_start3A_171 = tpu.memref_squeeze %dma_start3A_170 : memref<1x128x256xf32, #tpu.memory_space<vmem>> -> memref<128x256xf32, #tpu.memory_space<vmem>>
    %dma_start3A_172 = arith.constant 0 : i32
    %dma_start3A_173 = tpu.memref_slice %arg5[%dma_start3A_166, %dma_start3A_172] : memref<9x128xi32, #tpu.memory_space<vmem>> -> memref<1x128xi32, #tpu.memory_space<vmem>>
    %dma_start3A_174 = tpu.memref_squeeze %dma_start3A_173 : memref<1x128xi32, #tpu.memory_space<vmem>> -> memref<128xi32, #tpu.memory_space<vmem>>
    %dma_start3A_175 = arith.constant 0 : i32
    %dma_start3A_176 = arith.constant 0 : i32
    %dma_start3A_177 = tpu.memref_slice %arg2[%dma_start3A_175, %dma_start3A_176] : memref<1024x256xf32, #tpu.memory_space<hbm>> -> memref<1024x256xf32, #tpu.memory_space<hbm>>
    tpu.enqueue_indirect_dma source(%dma_start3A_177 : memref<1024x256xf32, #tpu.memory_space<hbm>>) target(%dma_start3A_171 : memref<128x256xf32, #tpu.memory_space<vmem>>) offsets(%dma_start3A_174 : memref<128xi32, #tpu.memory_space<vmem>>) semaphore(%arg7 : memref<!tpu.dma_semaphore, #tpu.memory_space<semaphore_mem>>)
    %dma_wait3A_178 = arith.constant 3 : i32
    %dma_wait3A_179 = arith.constant 0 : i32
    %dma_wait3A_180 = arith.constant 0 : i32
    %dma_wait3A_181 = arith.constant 0 : i32
    %dma_wait3A_182 = tpu.memref_slice %arg6[%dma_wait3A_179, %dma_wait3A_180, %dma_wait3A_181] : memref<3x128x256xf32, #tpu.memory_space<vmem>> -> memref<1x128x256xf32, #tpu.memory_space<vmem>>
    %dma_wait3A_183 = tpu.memref_squeeze %dma_wait3A_182 : memref<1x128x256xf32, #tpu.memory_space<vmem>> -> memref<128x256xf32, #tpu.memory_space<vmem>>
    %dma_wait3A_184 = arith.constant 0 : i32
    %dma_wait3A_185 = tpu.memref_slice %arg5[%dma_wait3A_178, %dma_wait3A_184] : memref<9x128xi32, #tpu.memory_space<vmem>> -> memref<1x128xi32, #tpu.memory_space<vmem>>
    %dma_wait3A_186 = tpu.memref_squeeze %dma_wait3A_185 : memref<1x128xi32, #tpu.memory_space<vmem>> -> memref<128xi32, #tpu.memory_space<vmem>>
    %dma_wait3A_187 = arith.constant 0 : i32
    %dma_wait3A_188 = arith.constant 0 : i32
    %dma_wait3A_189 = tpu.memref_slice %arg2[%dma_wait3A_187, %dma_wait3A_188] : memref<1024x256xf32, #tpu.memory_space<hbm>> -> memref<1024x256xf32, #tpu.memory_space<hbm>>
    tpu.wait_indirect_dma semaphore(%arg7 : memref<!tpu.dma_semaphore, #tpu.memory_space<semaphore_mem>>) src(%dma_wait3A_189 : memref<1024x256xf32, #tpu.memory_space<hbm>>) dst(%dma_wait3A_183 : memref<128x256xf32, #tpu.memory_space<vmem>>)
    %add3A_190 = arith.constant 384 : i32
    %add3A_191 = arith.addi %mul3A_2, %add3A_190 : i32
    %dma_start3A_192 = arith.constant 0 : i32
    %dma_start3A_193 = arith.constant 0 : i32
    %dma_start3A_194 = arith.constant 0 : i32
    %dma_start3A_195 = tpu.memref_slice %arg6[%dma_start3A_192, %dma_start3A_193, %dma_start3A_194] : memref<3x128x256xf32, #tpu.memory_space<vmem>> -> memref<1x128x256xf32, #tpu.memory_space<vmem>>
    %dma_start3A_196 = tpu.memref_squeeze %dma_start3A_195 : memref<1x128x256xf32, #tpu.memory_space<vmem>> -> memref<128x256xf32, #tpu.memory_space<vmem>>
    %dma_start3A_197 = arith.constant 0 : i32
    %dma_start3A_198 = tpu.memref_slice %arg4[%add3A_191, %dma_start3A_197] : memref<36864x256xf32, #tpu.memory_space<hbm>> -> memref<128x256xf32, #tpu.memory_space<hbm>>
    %dma_start3A_199 = arith.constant 0 : i32
    %dma_start3A_200 = tpu.memref_slice %arg4[%add3A_191, %dma_start3A_199] : memref<36864x256xf32, #tpu.memory_space<hbm>> -> memref<128x256xf32, #tpu.memory_space<hbm>>
    %dma_start3A_201 = arith.constant 0 : i32
    %dma_start3A_202 = arith.constant 0 : i32
    %dma_start3A_203 = tpu.memref_slice %arg6[%dma_start3A_192, %dma_start3A_201, %dma_start3A_202] : memref<3x128x256xf32, #tpu.memory_space<vmem>> -> memref<1x128x256xf32, #tpu.memory_space<vmem>>
    %dma_start3A_204 = tpu.memref_squeeze %dma_start3A_203 : memref<1x128x256xf32, #tpu.memory_space<vmem>> -> memref<128x256xf32, #tpu.memory_space<vmem>>
    tpu.enqueue_dma source(%dma_start3A_204 : memref<128x256xf32, #tpu.memory_space<vmem>>) target(%dma_start3A_200 : memref<128x256xf32, #tpu.memory_space<hbm>>) target_semaphore(%arg8 : memref<!tpu.dma_semaphore, #tpu.memory_space<semaphore_mem>>)
    %dma_wait3A_205 = arith.constant 2 : i32
    %dma_wait3A_206 = arith.constant 0 : i32
    %dma_wait3A_207 = arith.constant 0 : i32
    %dma_wait3A_208 = tpu.memref_slice %arg6[%dma_wait3A_205, %dma_wait3A_206, %dma_wait3A_207] : memref<3x128x256xf32, #tpu.memory_space<vmem>> -> memref<1x128x256xf32, #tpu.memory_space<vmem>>
    %dma_wait3A_209 = tpu.memref_squeeze %dma_wait3A_208 : memref<1x128x256xf32, #tpu.memory_space<vmem>> -> memref<128x256xf32, #tpu.memory_space<vmem>>
    %dma_wait3A_210 = arith.constant 0 : i32
    %dma_wait3A_211 = tpu.memref_slice %arg4[%add3A_137, %dma_wait3A_210] : memref<36864x256xf32, #tpu.memory_space<hbm>> -> memref<128x256xf32, #tpu.memory_space<hbm>>
    %dma_wait3A_212 = arith.constant 0 : i32
    %dma_wait3A_213 = tpu.memref_slice %arg4[%add3A_137, %dma_wait3A_212] : memref<36864x256xf32, #tpu.memory_space<hbm>> -> memref<128x256xf32, #tpu.memory_space<hbm>>
    %dma_wait3A_214 = arith.constant 0 : i32
    %dma_wait3A_215 = arith.constant 0 : i32
    %dma_wait3A_216 = tpu.memref_slice %arg6[%dma_wait3A_205, %dma_wait3A_214, %dma_wait3A_215] : memref<3x128x256xf32, #tpu.memory_space<vmem>> -> memref<1x128x256xf32, #tpu.memory_space<vmem>>
    %dma_wait3A_217 = tpu.memref_squeeze %dma_wait3A_216 : memref<1x128x256xf32, #tpu.memory_space<vmem>> -> memref<128x256xf32, #tpu.memory_space<vmem>>
    tpu.wait_dma2 semaphore(%arg8 : memref<!tpu.dma_semaphore, #tpu.memory_space<semaphore_mem>>) src(%dma_wait3A_217 : memref<128x256xf32, #tpu.memory_space<vmem>>) dst(%dma_wait3A_213 : memref<128x256xf32, #tpu.memory_space<hbm>>)
    %add3A_218 = arith.constant 640 : i32
    %add3A_219 = arith.addi %mul3A_2, %add3A_218 : i32
    %dma_start3A_220 = arith.constant 5 : i32
    %dma_start3A_221 = arith.constant 2 : i32
    %dma_start3A_222 = arith.constant 0 : i32
    %dma_start3A_223 = arith.constant 0 : i32
    %dma_start3A_224 = tpu.memref_slice %arg6[%dma_start3A_221, %dma_start3A_222, %dma_start3A_223] : memref<3x128x256xf32, #tpu.memory_space<vmem>> -> memref<1x128x256xf32, #tpu.memory_space<vmem>>
    %dma_start3A_225 = tpu.memref_squeeze %dma_start3A_224 : memref<1x128x256xf32, #tpu.memory_space<vmem>> -> memref<128x256xf32, #tpu.memory_space<vmem>>
    %dma_start3A_226 = arith.constant 0 : i32
    %dma_start3A_227 = tpu.memref_slice %arg5[%dma_start3A_220, %dma_start3A_226] : memref<9x128xi32, #tpu.memory_space<vmem>> -> memref<1x128xi32, #tpu.memory_space<vmem>>
    %dma_start3A_228 = tpu.memref_squeeze %dma_start3A_227 : memref<1x128xi32, #tpu.memory_space<vmem>> -> memref<128xi32, #tpu.memory_space<vmem>>
    %dma_start3A_229 = arith.constant 0 : i32
    %dma_start3A_230 = arith.constant 0 : i32
    %dma_start3A_231 = tpu.memref_slice %arg2[%dma_start3A_229, %dma_start3A_230] : memref<1024x256xf32, #tpu.memory_space<hbm>> -> memref<1024x256xf32, #tpu.memory_space<hbm>>
    tpu.enqueue_indirect_dma source(%dma_start3A_231 : memref<1024x256xf32, #tpu.memory_space<hbm>>) target(%dma_start3A_225 : memref<128x256xf32, #tpu.memory_space<vmem>>) offsets(%dma_start3A_228 : memref<128xi32, #tpu.memory_space<vmem>>) semaphore(%arg7 : memref<!tpu.dma_semaphore, #tpu.memory_space<semaphore_mem>>)
    %dma_wait3A_232 = arith.constant 4 : i32
    %dma_wait3A_233 = arith.constant 1 : i32
    %dma_wait3A_234 = arith.constant 0 : i32
    %dma_wait3A_235 = arith.constant 0 : i32
    %dma_wait3A_236 = tpu.memref_slice %arg6[%dma_wait3A_233, %dma_wait3A_234, %dma_wait3A_235] : memref<3x128x256xf32, #tpu.memory_space<vmem>> -> memref<1x128x256xf32, #tpu.memory_space<vmem>>
    %dma_wait3A_237 = tpu.memref_squeeze %dma_wait3A_236 : memref<1x128x256xf32, #tpu.memory_space<vmem>> -> memref<128x256xf32, #tpu.memory_space<vmem>>
    %dma_wait3A_238 = arith.constant 0 : i32
    %dma_wait3A_239 = tpu.memref_slice %arg5[%dma_wait3A_232, %dma_wait3A_238] : memref<9x128xi32, #tpu.memory_space<vmem>> -> memref<1x128xi32, #tpu.memory_space<vmem>>
    %dma_wait3A_240 = tpu.memref_squeeze %dma_wait3A_239 : memref<1x128xi32, #tpu.memory_space<vmem>> -> memref<128xi32, #tpu.memory_space<vmem>>
    %dma_wait3A_241 = arith.constant 0 : i32
    %dma_wait3A_242 = arith.constant 0 : i32
    %dma_wait3A_243 = tpu.memref_slice %arg2[%dma_wait3A_241, %dma_wait3A_242] : memref<1024x256xf32, #tpu.memory_space<hbm>> -> memref<1024x256xf32, #tpu.memory_space<hbm>>
    tpu.wait_indirect_dma semaphore(%arg7 : memref<!tpu.dma_semaphore, #tpu.memory_space<semaphore_mem>>) src(%dma_wait3A_243 : memref<1024x256xf32, #tpu.memory_space<hbm>>) dst(%dma_wait3A_237 : memref<128x256xf32, #tpu.memory_space<vmem>>)
    %add3A_244 = arith.constant 512 : i32
    %add3A_245 = arith.addi %mul3A_2, %add3A_244 : i32
    %dma_start3A_246 = arith.constant 1 : i32
    %dma_start3A_247 = arith.constant 0 : i32
    %dma_start3A_248 = arith.constant 0 : i32
    %dma_start3A_249 = tpu.memref_slice %arg6[%dma_start3A_246, %dma_start3A_247, %dma_start3A_248] : memref<3x128x256xf32, #tpu.memory_space<vmem>> -> memref<1x128x256xf32, #tpu.memory_space<vmem>>
    %dma_start3A_250 = tpu.memref_squeeze %dma_start3A_249 : memref<1x128x256xf32, #tpu.memory_space<vmem>> -> memref<128x256xf32, #tpu.memory_space<vmem>>
    %dma_start3A_251 = arith.constant 0 : i32
    %dma_start3A_252 = tpu.memref_slice %arg4[%add3A_245, %dma_start3A_251] : memref<36864x256xf32, #tpu.memory_space<hbm>> -> memref<128x256xf32, #tpu.memory_space<hbm>>
    %dma_start3A_253 = arith.constant 0 : i32
    %dma_start3A_254 = tpu.memref_slice %arg4[%add3A_245, %dma_start3A_253] : memref<36864x256xf32, #tpu.memory_space<hbm>> -> memref<128x256xf32, #tpu.memory_space<hbm>>
    %dma_start3A_255 = arith.constant 0 : i32
    %dma_start3A_256 = arith.constant 0 : i32
    %dma_start3A_257 = tpu.memref_slice %arg6[%dma_start3A_246, %dma_start3A_255, %dma_start3A_256] : memref<3x128x256xf32, #tpu.memory_space<vmem>> -> memref<1x128x256xf32, #tpu.memory_space<vmem>>
    %dma_start3A_258 = tpu.memref_squeeze %dma_start3A_257 : memref<1x128x256xf32, #tpu.memory_space<vmem>> -> memref<128x256xf32, #tpu.memory_space<vmem>>
    tpu.enqueue_dma source(%dma_start3A_258 : memref<128x256xf32, #tpu.memory_space<vmem>>) target(%dma_start3A_254 : memref<128x256xf32, #tpu.memory_space<hbm>>) target_semaphore(%arg8 : memref<!tpu.dma_semaphore, #tpu.memory_space<semaphore_mem>>)
    %dma_wait3A_259 = arith.constant 0 : i32
    %dma_wait3A_260 = arith.constant 0 : i32
    %dma_wait3A_261 = arith.constant 0 : i32
    %dma_wait3A_262 = tpu.memref_slice %arg6[%dma_wait3A_259, %dma_wait3A_260, %dma_wait3A_261] : memref<3x128x256xf32, #tpu.memory_space<vmem>> -> memref<1x128x256xf32, #tpu.memory_space<vmem>>
    %dma_wait3A_263 = tpu.memref_squeeze %dma_wait3A_262 : memref<1x128x256xf32, #tpu.memory_space<vmem>> -> memref<128x256xf32, #tpu.memory_space<vmem>>
    %dma_wait3A_264 = arith.constant 0 : i32
    %dma_wait3A_265 = tpu.memref_slice %arg4[%add3A_191, %dma_wait3A_264] : memref<36864x256xf32, #tpu.memory_space<hbm>> -> memref<128x256xf32, #tpu.memory_space<hbm>>
    %dma_wait3A_266 = arith.constant 0 : i32
    %dma_wait3A_267 = tpu.memref_slice %arg4[%add3A_191, %dma_wait3A_266] : memref<36864x256xf32, #tpu.memory_space<hbm>> -> memref<128x256xf32, #tpu.memory_space<hbm>>
    %dma_wait3A_268 = arith.constant 0 : i32
    %dma_wait3A_269 = arith.constant 0 : i32
    %dma_wait3A_270 = tpu.memref_slice %arg6[%dma_wait3A_259, %dma_wait3A_268, %dma_wait3A_269] : memref<3x128x256xf32, #tpu.memory_space<vmem>> -> memref<1x128x256xf32, #tpu.memory_space<vmem>>
    %dma_wait3A_271 = tpu.memref_squeeze %dma_wait3A_270 : memref<1x128x256xf32, #tpu.memory_space<vmem>> -> memref<128x256xf32, #tpu.memory_space<vmem>>
    tpu.wait_dma2 semaphore(%arg8 : memref<!tpu.dma_semaphore, #tpu.memory_space<semaphore_mem>>) src(%dma_wait3A_271 : memref<128x256xf32, #tpu.memory_space<vmem>>) dst(%dma_wait3A_267 : memref<128x256xf32, #tpu.memory_space<hbm>>)
    %add3A_272 = arith.constant 768 : i32
    %add3A_273 = arith.addi %mul3A_2, %add3A_272 : i32
    %dma_start3A_274 = arith.constant 6 : i32
    %dma_start3A_275 = arith.constant 0 : i32
    %dma_start3A_276 = arith.constant 0 : i32
    %dma_start3A_277 = arith.constant 0 : i32
    %dma_start3A_278 = tpu.memref_slice %arg6[%dma_start3A_275, %dma_start3A_276, %dma_start3A_277] : memref<3x128x256xf32, #tpu.memory_space<vmem>> -> memref<1x128x256xf32, #tpu.memory_space<vmem>>
    %dma_start3A_279 = tpu.memref_squeeze %dma_start3A_278 : memref<1x128x256xf32, #tpu.memory_space<vmem>> -> memref<128x256xf32, #tpu.memory_space<vmem>>
    %dma_start3A_280 = arith.constant 0 : i32
    %dma_start3A_281 = tpu.memref_slice %arg5[%dma_start3A_274, %dma_start3A_280] : memref<9x128xi32, #tpu.memory_space<vmem>> -> memref<1x128xi32, #tpu.memory_space<vmem>>
    %dma_start3A_282 = tpu.memref_squeeze %dma_start3A_281 : memref<1x128xi32, #tpu.memory_space<vmem>> -> memref<128xi32, #tpu.memory_space<vmem>>
    %dma_start3A_283 = arith.constant 0 : i32
    %dma_start3A_284 = arith.constant 0 : i32
    %dma_start3A_285 = tpu.memref_slice %arg2[%dma_start3A_283, %dma_start3A_284] : memref<1024x256xf32, #tpu.memory_space<hbm>> -> memref<1024x256xf32, #tpu.memory_space<hbm>>
    tpu.enqueue_indirect_dma source(%dma_start3A_285 : memref<1024x256xf32, #tpu.memory_space<hbm>>) target(%dma_start3A_279 : memref<128x256xf32, #tpu.memory_space<vmem>>) offsets(%dma_start3A_282 : memref<128xi32, #tpu.memory_space<vmem>>) semaphore(%arg7 : memref<!tpu.dma_semaphore, #tpu.memory_space<semaphore_mem>>)
    %dma_wait3A_286 = arith.constant 5 : i32
    %dma_wait3A_287 = arith.constant 2 : i32
    %dma_wait3A_288 = arith.constant 0 : i32
    %dma_wait3A_289 = arith.constant 0 : i32
    %dma_wait3A_290 = tpu.memref_slice %arg6[%dma_wait3A_287, %dma_wait3A_288, %dma_wait3A_289] : memref<3x128x256xf32, #tpu.memory_space<vmem>> -> memref<1x128x256xf32, #tpu.memory_space<vmem>>
    %dma_wait3A_291 = tpu.memref_squeeze %dma_wait3A_290 : memref<1x128x256xf32, #tpu.memory_space<vmem>> -> memref<128x256xf32, #tpu.memory_space<vmem>>
    %dma_wait3A_292 = arith.constant 0 : i32
    %dma_wait3A_293 = tpu.memref_slice %arg5[%dma_wait3A_286, %dma_wait3A_292] : memref<9x128xi32, #tpu.memory_space<vmem>> -> memref<1x128xi32, #tpu.memory_space<vmem>>
    %dma_wait3A_294 = tpu.memref_squeeze %dma_wait3A_293 : memref<1x128xi32, #tpu.memory_space<vmem>> -> memref<128xi32, #tpu.memory_space<vmem>>
    %dma_wait3A_295 = arith.constant 0 : i32
    %dma_wait3A_296 = arith.constant 0 : i32
    %dma_wait3A_297 = tpu.memref_slice %arg2[%dma_wait3A_295, %dma_wait3A_296] : memref<1024x256xf32, #tpu.memory_space<hbm>> -> memref<1024x256xf32, #tpu.memory_space<hbm>>
    tpu.wait_indirect_dma semaphore(%arg7 : memref<!tpu.dma_semaphore, #tpu.memory_space<semaphore_mem>>) src(%dma_wait3A_297 : memref<1024x256xf32, #tpu.memory_space<hbm>>) dst(%dma_wait3A_291 : memref<128x256xf32, #tpu.memory_space<vmem>>)
    %add3A_298 = arith.constant 640 : i32
    %add3A_299 = arith.addi %mul3A_2, %add3A_298 : i32
    %dma_start3A_300 = arith.constant 2 : i32
    %dma_start3A_301 = arith.constant 0 : i32
    %dma_start3A_302 = arith.constant 0 : i32
    %dma_start3A_303 = tpu.memref_slice %arg6[%dma_start3A_300, %dma_start3A_301, %dma_start3A_302] : memref<3x128x256xf32, #tpu.memory_space<vmem>> -> memref<1x128x256xf32, #tpu.memory_space<vmem>>
    %dma_start3A_304 = tpu.memref_squeeze %dma_start3A_303 : memref<1x128x256xf32, #tpu.memory_space<vmem>> -> memref<128x256xf32, #tpu.memory_space<vmem>>
    %dma_start3A_305 = arith.constant 0 : i32
    %dma_start3A_306 = tpu.memref_slice %arg4[%add3A_299, %dma_start3A_305] : memref<36864x256xf32, #tpu.memory_space<hbm>> -> memref<128x256xf32, #tpu.memory_space<hbm>>
    %dma_start3A_307 = arith.constant 0 : i32
    %dma_start3A_308 = tpu.memref_slice %arg4[%add3A_299, %dma_start3A_307] : memref<36864x256xf32, #tpu.memory_space<hbm>> -> memref<128x256xf32, #tpu.memory_space<hbm>>
    %dma_start3A_309 = arith.constant 0 : i32
    %dma_start3A_310 = arith.constant 0 : i32
    %dma_start3A_311 = tpu.memref_slice %arg6[%dma_start3A_300, %dma_start3A_309, %dma_start3A_310] : memref<3x128x256xf32, #tpu.memory_space<vmem>> -> memref<1x128x256xf32, #tpu.memory_space<vmem>>
    %dma_start3A_312 = tpu.memref_squeeze %dma_start3A_311 : memref<1x128x256xf32, #tpu.memory_space<vmem>> -> memref<128x256xf32, #tpu.memory_space<vmem>>
    tpu.enqueue_dma source(%dma_start3A_312 : memref<128x256xf32, #tpu.memory_space<vmem>>) target(%dma_start3A_308 : memref<128x256xf32, #tpu.memory_space<hbm>>) target_semaphore(%arg8 : memref<!tpu.dma_semaphore, #tpu.memory_space<semaphore_mem>>)
    %dma_wait3A_313 = arith.constant 1 : i32
    %dma_wait3A_314 = arith.constant 0 : i32
    %dma_wait3A_315 = arith.constant 0 : i32
    %dma_wait3A_316 = tpu.memref_slice %arg6[%dma_wait3A_313, %dma_wait3A_314, %dma_wait3A_315] : memref<3x128x256xf32, #tpu.memory_space<vmem>> -> memref<1x128x256xf32, #tpu.memory_space<vmem>>
    %dma_wait3A_317 = tpu.memref_squeeze %dma_wait3A_316 : memref<1x128x256xf32, #tpu.memory_space<vmem>> -> memref<128x256xf32, #tpu.memory_space<vmem>>
    %dma_wait3A_318 = arith.constant 0 : i32
    %dma_wait3A_319 = tpu.memref_slice %arg4[%add3A_245, %dma_wait3A_318] : memref<36864x256xf32, #tpu.memory_space<hbm>> -> memref<128x256xf32, #tpu.memory_space<hbm>>
    %dma_wait3A_320 = arith.constant 0 : i32
    %dma_wait3A_321 = tpu.memref_slice %arg4[%add3A_245, %dma_wait3A_320] : memref<36864x256xf32, #tpu.memory_space<hbm>> -> memref<128x256xf32, #tpu.memory_space<hbm>>
    %dma_wait3A_322 = arith.constant 0 : i32
    %dma_wait3A_323 = arith.constant 0 : i32
    %dma_wait3A_324 = tpu.memref_slice %arg6[%dma_wait3A_313, %dma_wait3A_322, %dma_wait3A_323] : memref<3x128x256xf32, #tpu.memory_space<vmem>> -> memref<1x128x256xf32, #tpu.memory_space<vmem>>
    %dma_wait3A_325 = tpu.memref_squeeze %dma_wait3A_324 : memref<1x128x256xf32, #tpu.memory_space<vmem>> -> memref<128x256xf32, #tpu.memory_space<vmem>>
    tpu.wait_dma2 semaphore(%arg8 : memref<!tpu.dma_semaphore, #tpu.memory_space<semaphore_mem>>) src(%dma_wait3A_325 : memref<128x256xf32, #tpu.memory_space<vmem>>) dst(%dma_wait3A_321 : memref<128x256xf32, #tpu.memory_space<hbm>>)
    %add3A_326 = arith.constant 896 : i32
    %add3A_327 = arith.addi %mul3A_2, %add3A_326 : i32
    %dma_start3A_328 = arith.constant 7 : i32
    %dma_start3A_329 = arith.constant 1 : i32
    %dma_start3A_330 = arith.constant 0 : i32
    %dma_start3A_331 = arith.constant 0 : i32
    %dma_start3A_332 = tpu.memref_slice %arg6[%dma_start3A_329, %dma_start3A_330, %dma_start3A_331] : memref<3x128x256xf32, #tpu.memory_space<vmem>> -> memref<1x128x256xf32, #tpu.memory_space<vmem>>
    %dma_start3A_333 = tpu.memref_squeeze %dma_start3A_332 : memref<1x128x256xf32, #tpu.memory_space<vmem>> -> memref<128x256xf32, #tpu.memory_space<vmem>>
    %dma_start3A_334 = arith.constant 0 : i32
    %dma_start3A_335 = tpu.memref_slice %arg5[%dma_start3A_328, %dma_start3A_334] : memref<9x128xi32, #tpu.memory_space<vmem>> -> memref<1x128xi32, #tpu.memory_space<vmem>>
    %dma_start3A_336 = tpu.memref_squeeze %dma_start3A_335 : memref<1x128xi32, #tpu.memory_space<vmem>> -> memref<128xi32, #tpu.memory_space<vmem>>
    %dma_start3A_337 = arith.constant 0 : i32
    %dma_start3A_338 = arith.constant 0 : i32
    %dma_start3A_339 = tpu.memref_slice %arg2[%dma_start3A_337, %dma_start3A_338] : memref<1024x256xf32, #tpu.memory_space<hbm>> -> memref<1024x256xf32, #tpu.memory_space<hbm>>
    tpu.enqueue_indirect_dma source(%dma_start3A_339 : memref<1024x256xf32, #tpu.memory_space<hbm>>) target(%dma_start3A_333 : memref<128x256xf32, #tpu.memory_space<vmem>>) offsets(%dma_start3A_336 : memref<128xi32, #tpu.memory_space<vmem>>) semaphore(%arg7 : memref<!tpu.dma_semaphore, #tpu.memory_space<semaphore_mem>>)
    %dma_wait3A_340 = arith.constant 6 : i32
    %dma_wait3A_341 = arith.constant 0 : i32
    %dma_wait3A_342 = arith.constant 0 : i32
    %dma_wait3A_343 = arith.constant 0 : i32
    %dma_wait3A_344 = tpu.memref_slice %arg6[%dma_wait3A_341, %dma_wait3A_342, %dma_wait3A_343] : memref<3x128x256xf32, #tpu.memory_space<vmem>> -> memref<1x128x256xf32, #tpu.memory_space<vmem>>
    %dma_wait3A_345 = tpu.memref_squeeze %dma_wait3A_344 : memref<1x128x256xf32, #tpu.memory_space<vmem>> -> memref<128x256xf32, #tpu.memory_space<vmem>>
    %dma_wait3A_346 = arith.constant 0 : i32
    %dma_wait3A_347 = tpu.memref_slice %arg5[%dma_wait3A_340, %dma_wait3A_346] : memref<9x128xi32, #tpu.memory_space<vmem>> -> memref<1x128xi32, #tpu.memory_space<vmem>>
    %dma_wait3A_348 = tpu.memref_squeeze %dma_wait3A_347 : memref<1x128xi32, #tpu.memory_space<vmem>> -> memref<128xi32, #tpu.memory_space<vmem>>
    %dma_wait3A_349 = arith.constant 0 : i32
    %dma_wait3A_350 = arith.constant 0 : i32
    %dma_wait3A_351 = tpu.memref_slice %arg2[%dma_wait3A_349, %dma_wait3A_350] : memref<1024x256xf32, #tpu.memory_space<hbm>> -> memref<1024x256xf32, #tpu.memory_space<hbm>>
    tpu.wait_indirect_dma semaphore(%arg7 : memref<!tpu.dma_semaphore, #tpu.memory_space<semaphore_mem>>) src(%dma_wait3A_351 : memref<1024x256xf32, #tpu.memory_space<hbm>>) dst(%dma_wait3A_345 : memref<128x256xf32, #tpu.memory_space<vmem>>)
    %add3A_352 = arith.constant 768 : i32
    %add3A_353 = arith.addi %mul3A_2, %add3A_352 : i32
    %dma_start3A_354 = arith.constant 0 : i32
    %dma_start3A_355 = arith.constant 0 : i32
    %dma_start3A_356 = arith.constant 0 : i32
    %dma_start3A_357 = tpu.memref_slice %arg6[%dma_start3A_354, %dma_start3A_355, %dma_start3A_356] : memref<3x128x256xf32, #tpu.memory_space<vmem>> -> memref<1x128x256xf32, #tpu.memory_space<vmem>>
    %dma_start3A_358 = tpu.memref_squeeze %dma_start3A_357 : memref<1x128x256xf32, #tpu.memory_space<vmem>> -> memref<128x256xf32, #tpu.memory_space<vmem>>
    %dma_start3A_359 = arith.constant 0 : i32
    %dma_start3A_360 = tpu.memref_slice %arg4[%add3A_353, %dma_start3A_359] : memref<36864x256xf32, #tpu.memory_space<hbm>> -> memref<128x256xf32, #tpu.memory_space<hbm>>
    %dma_start3A_361 = arith.constant 0 : i32
    %dma_start3A_362 = tpu.memref_slice %arg4[%add3A_353, %dma_start3A_361] : memref<36864x256xf32, #tpu.memory_space<hbm>> -> memref<128x256xf32, #tpu.memory_space<hbm>>
    %dma_start3A_363 = arith.constant 0 : i32
    %dma_start3A_364 = arith.constant 0 : i32
    %dma_start3A_365 = tpu.memref_slice %arg6[%dma_start3A_354, %dma_start3A_363, %dma_start3A_364] : memref<3x128x256xf32, #tpu.memory_space<vmem>> -> memref<1x128x256xf32, #tpu.memory_space<vmem>>
    %dma_start3A_366 = tpu.memref_squeeze %dma_start3A_365 : memref<1x128x256xf32, #tpu.memory_space<vmem>> -> memref<128x256xf32, #tpu.memory_space<vmem>>
    tpu.enqueue_dma source(%dma_start3A_366 : memref<128x256xf32, #tpu.memory_space<vmem>>) target(%dma_start3A_362 : memref<128x256xf32, #tpu.memory_space<hbm>>) target_semaphore(%arg8 : memref<!tpu.dma_semaphore, #tpu.memory_space<semaphore_mem>>)
    %dma_wait3A_367 = arith.constant 2 : i32
    %dma_wait3A_368 = arith.constant 0 : i32
    %dma_wait3A_369 = arith.constant 0 : i32
    %dma_wait3A_370 = tpu.memref_slice %arg6[%dma_wait3A_367, %dma_wait3A_368, %dma_wait3A_369] : memref<3x128x256xf32, #tpu.memory_space<vmem>> -> memref<1x128x256xf32, #tpu.memory_space<vmem>>
    %dma_wait3A_371 = tpu.memref_squeeze %dma_wait3A_370 : memref<1x128x256xf32, #tpu.memory_space<vmem>> -> memref<128x256xf32, #tpu.memory_space<vmem>>
    %dma_wait3A_372 = arith.constant 0 : i32
    %dma_wait3A_373 = tpu.memref_slice %arg4[%add3A_299, %dma_wait3A_372] : memref<36864x256xf32, #tpu.memory_space<hbm>> -> memref<128x256xf32, #tpu.memory_space<hbm>>
    %dma_wait3A_374 = arith.constant 0 : i32
    %dma_wait3A_375 = tpu.memref_slice %arg4[%add3A_299, %dma_wait3A_374] : memref<36864x256xf32, #tpu.memory_space<hbm>> -> memref<128x256xf32, #tpu.memory_space<hbm>>
    %dma_wait3A_376 = arith.constant 0 : i32
    %dma_wait3A_377 = arith.constant 0 : i32
    %dma_wait3A_378 = tpu.memref_slice %arg6[%dma_wait3A_367, %dma_wait3A_376, %dma_wait3A_377] : memref<3x128x256xf32, #tpu.memory_space<vmem>> -> memref<1x128x256xf32, #tpu.memory_space<vmem>>
    %dma_wait3A_379 = tpu.memref_squeeze %dma_wait3A_378 : memref<1x128x256xf32, #tpu.memory_space<vmem>> -> memref<128x256xf32, #tpu.memory_space<vmem>>
    tpu.wait_dma2 semaphore(%arg8 : memref<!tpu.dma_semaphore, #tpu.memory_space<semaphore_mem>>) src(%dma_wait3A_379 : memref<128x256xf32, #tpu.memory_space<vmem>>) dst(%dma_wait3A_375 : memref<128x256xf32, #tpu.memory_space<hbm>>)
    %add3A_380 = arith.constant 1024 : i32
    %add3A_381 = arith.addi %mul3A_2, %add3A_380 : i32
    %dma_start3A_382 = arith.constant 8 : i32
    %dma_start3A_383 = arith.constant 2 : i32
    %dma_start3A_384 = arith.constant 0 : i32
    %dma_start3A_385 = arith.constant 0 : i32
    %dma_start3A_386 = tpu.memref_slice %arg6[%dma_start3A_383, %dma_start3A_384, %dma_start3A_385] : memref<3x128x256xf32, #tpu.memory_space<vmem>> -> memref<1x128x256xf32, #tpu.memory_space<vmem>>
    %dma_start3A_387 = tpu.memref_squeeze %dma_start3A_386 : memref<1x128x256xf32, #tpu.memory_space<vmem>> -> memref<128x256xf32, #tpu.memory_space<vmem>>
    %dma_start3A_388 = arith.constant 0 : i32
    %dma_start3A_389 = tpu.memref_slice %arg5[%dma_start3A_382, %dma_start3A_388] : memref<9x128xi32, #tpu.memory_space<vmem>> -> memref<1x128xi32, #tpu.memory_space<vmem>>
    %dma_start3A_390 = tpu.memref_squeeze %dma_start3A_389 : memref<1x128xi32, #tpu.memory_space<vmem>> -> memref<128xi32, #tpu.memory_space<vmem>>
    %dma_start3A_391 = arith.constant 0 : i32
    %dma_start3A_392 = arith.constant 0 : i32
    %dma_start3A_393 = tpu.memref_slice %arg2[%dma_start3A_391, %dma_start3A_392] : memref<1024x256xf32, #tpu.memory_space<hbm>> -> memref<1024x256xf32, #tpu.memory_space<hbm>>
    tpu.enqueue_indirect_dma source(%dma_start3A_393 : memref<1024x256xf32, #tpu.memory_space<hbm>>) target(%dma_start3A_387 : memref<128x256xf32, #tpu.memory_space<vmem>>) offsets(%dma_start3A_390 : memref<128xi32, #tpu.memory_space<vmem>>) semaphore(%arg7 : memref<!tpu.dma_semaphore, #tpu.memory_space<semaphore_mem>>)
    %dma_wait3A_394 = arith.constant 7 : i32
    %dma_wait3A_395 = arith.constant 1 : i32
    %dma_wait3A_396 = arith.constant 0 : i32
    %dma_wait3A_397 = arith.constant 0 : i32
    %dma_wait3A_398 = tpu.memref_slice %arg6[%dma_wait3A_395, %dma_wait3A_396, %dma_wait3A_397] : memref<3x128x256xf32, #tpu.memory_space<vmem>> -> memref<1x128x256xf32, #tpu.memory_space<vmem>>
    %dma_wait3A_399 = tpu.memref_squeeze %dma_wait3A_398 : memref<1x128x256xf32, #tpu.memory_space<vmem>> -> memref<128x256xf32, #tpu.memory_space<vmem>>
    %dma_wait3A_400 = arith.constant 0 : i32
    %dma_wait3A_401 = tpu.memref_slice %arg5[%dma_wait3A_394, %dma_wait3A_400] : memref<9x128xi32, #tpu.memory_space<vmem>> -> memref<1x128xi32, #tpu.memory_space<vmem>>
    %dma_wait3A_402 = tpu.memref_squeeze %dma_wait3A_401 : memref<1x128xi32, #tpu.memory_space<vmem>> -> memref<128xi32, #tpu.memory_space<vmem>>
    %dma_wait3A_403 = arith.constant 0 : i32
    %dma_wait3A_404 = arith.constant 0 : i32
    %dma_wait3A_405 = tpu.memref_slice %arg2[%dma_wait3A_403, %dma_wait3A_404] : memref<1024x256xf32, #tpu.memory_space<hbm>> -> memref<1024x256xf32, #tpu.memory_space<hbm>>
    tpu.wait_indirect_dma semaphore(%arg7 : memref<!tpu.dma_semaphore, #tpu.memory_space<semaphore_mem>>) src(%dma_wait3A_405 : memref<1024x256xf32, #tpu.memory_space<hbm>>) dst(%dma_wait3A_399 : memref<128x256xf32, #tpu.memory_space<vmem>>)
    %add3A_406 = arith.constant 896 : i32
    %add3A_407 = arith.addi %mul3A_2, %add3A_406 : i32
    %dma_start3A_408 = arith.constant 1 : i32
    %dma_start3A_409 = arith.constant 0 : i32
    %dma_start3A_410 = arith.constant 0 : i32
    %dma_start3A_411 = tpu.memref_slice %arg6[%dma_start3A_408, %dma_start3A_409, %dma_start3A_410] : memref<3x128x256xf32, #tpu.memory_space<vmem>> -> memref<1x128x256xf32, #tpu.memory_space<vmem>>
    %dma_start3A_412 = tpu.memref_squeeze %dma_start3A_411 : memref<1x128x256xf32, #tpu.memory_space<vmem>> -> memref<128x256xf32, #tpu.memory_space<vmem>>
    %dma_start3A_413 = arith.constant 0 : i32
    %dma_start3A_414 = tpu.memref_slice %arg4[%add3A_407, %dma_start3A_413] : memref<36864x256xf32, #tpu.memory_space<hbm>> -> memref<128x256xf32, #tpu.memory_space<hbm>>
    %dma_start3A_415 = arith.constant 0 : i32
    %dma_start3A_416 = tpu.memref_slice %arg4[%add3A_407, %dma_start3A_415] : memref<36864x256xf32, #tpu.memory_space<hbm>> -> memref<128x256xf32, #tpu.memory_space<hbm>>
    %dma_start3A_417 = arith.constant 0 : i32
    %dma_start3A_418 = arith.constant 0 : i32
    %dma_start3A_419 = tpu.memref_slice %arg6[%dma_start3A_408, %dma_start3A_417, %dma_start3A_418] : memref<3x128x256xf32, #tpu.memory_space<vmem>> -> memref<1x128x256xf32, #tpu.memory_space<vmem>>
    %dma_start3A_420 = tpu.memref_squeeze %dma_start3A_419 : memref<1x128x256xf32, #tpu.memory_space<vmem>> -> memref<128x256xf32, #tpu.memory_space<vmem>>
    tpu.enqueue_dma source(%dma_start3A_420 : memref<128x256xf32, #tpu.memory_space<vmem>>) target(%dma_start3A_416 : memref<128x256xf32, #tpu.memory_space<hbm>>) target_semaphore(%arg8 : memref<!tpu.dma_semaphore, #tpu.memory_space<semaphore_mem>>)
    %dma_wait3A_421 = arith.constant 8 : i32
    %dma_wait3A_422 = arith.constant 2 : i32
    %dma_wait3A_423 = arith.constant 0 : i32
    %dma_wait3A_424 = arith.constant 0 : i32
    %dma_wait3A_425 = tpu.memref_slice %arg6[%dma_wait3A_422, %dma_wait3A_423, %dma_wait3A_424] : memref<3x128x256xf32, #tpu.memory_space<vmem>> -> memref<1x128x256xf32, #tpu.memory_space<vmem>>
    %dma_wait3A_426 = tpu.memref_squeeze %dma_wait3A_425 : memref<1x128x256xf32, #tpu.memory_space<vmem>> -> memref<128x256xf32, #tpu.memory_space<vmem>>
    %dma_wait3A_427 = arith.constant 0 : i32
    %dma_wait3A_428 = tpu.memref_slice %arg5[%dma_wait3A_421, %dma_wait3A_427] : memref<9x128xi32, #tpu.memory_space<vmem>> -> memref<1x128xi32, #tpu.memory_space<vmem>>
    %dma_wait3A_429 = tpu.memref_squeeze %dma_wait3A_428 : memref<1x128xi32, #tpu.memory_space<vmem>> -> memref<128xi32, #tpu.memory_space<vmem>>
    %dma_wait3A_430 = arith.constant 0 : i32
    %dma_wait3A_431 = arith.constant 0 : i32
    %dma_wait3A_432 = tpu.memref_slice %arg2[%dma_wait3A_430, %dma_wait3A_431] : memref<1024x256xf32, #tpu.memory_space<hbm>> -> memref<1024x256xf32, #tpu.memory_space<hbm>>
    tpu.wait_indirect_dma semaphore(%arg7 : memref<!tpu.dma_semaphore, #tpu.memory_space<semaphore_mem>>) src(%dma_wait3A_432 : memref<1024x256xf32, #tpu.memory_space<hbm>>) dst(%dma_wait3A_426 : memref<128x256xf32, #tpu.memory_space<vmem>>)
    %add3A_433 = arith.constant 1024 : i32
    %add3A_434 = arith.addi %mul3A_2, %add3A_433 : i32
    %dma_start3A_435 = arith.constant 2 : i32
    %dma_start3A_436 = arith.constant 0 : i32
    %dma_start3A_437 = arith.constant 0 : i32
    %dma_start3A_438 = tpu.memref_slice %arg6[%dma_start3A_435, %dma_start3A_436, %dma_start3A_437] : memref<3x128x256xf32, #tpu.memory_space<vmem>> -> memref<1x128x256xf32, #tpu.memory_space<vmem>>
    %dma_start3A_439 = tpu.memref_squeeze %dma_start3A_438 : memref<1x128x256xf32, #tpu.memory_space<vmem>> -> memref<128x256xf32, #tpu.memory_space<vmem>>
    %dma_start3A_440 = arith.constant 0 : i32
    %dma_start3A_441 = tpu.memref_slice %arg4[%add3A_434, %dma_start3A_440] : memref<36864x256xf32, #tpu.memory_space<hbm>> -> memref<128x256xf32, #tpu.memory_space<hbm>>
    %dma_start3A_442 = arith.constant 0 : i32
    %dma_start3A_443 = tpu.memref_slice %arg4[%add3A_434, %dma_start3A_442] : memref<36864x256xf32, #tpu.memory_space<hbm>> -> memref<128x256xf32, #tpu.memory_space<hbm>>
    %dma_start3A_444 = arith.constant 0 : i32
    %dma_start3A_445 = arith.constant 0 : i32
    %dma_start3A_446 = tpu.memref_slice %arg6[%dma_start3A_435, %dma_start3A_444, %dma_start3A_445] : memref<3x128x256xf32, #tpu.memory_space<vmem>> -> memref<1x128x256xf32, #tpu.memory_space<vmem>>
    %dma_start3A_447 = tpu.memref_squeeze %dma_start3A_446 : memref<1x128x256xf32, #tpu.memory_space<vmem>> -> memref<128x256xf32, #tpu.memory_space<vmem>>
    tpu.enqueue_dma source(%dma_start3A_447 : memref<128x256xf32, #tpu.memory_space<vmem>>) target(%dma_start3A_443 : memref<128x256xf32, #tpu.memory_space<hbm>>) target_semaphore(%arg8 : memref<!tpu.dma_semaphore, #tpu.memory_space<semaphore_mem>>)
    %dma_wait3A_448 = arith.constant 0 : i32
    %dma_wait3A_449 = arith.constant 0 : i32
    %dma_wait3A_450 = arith.constant 0 : i32
    %dma_wait3A_451 = tpu.memref_slice %arg6[%dma_wait3A_448, %dma_wait3A_449, %dma_wait3A_450] : memref<3x128x256xf32, #tpu.memory_space<vmem>> -> memref<1x128x256xf32, #tpu.memory_space<vmem>>
    %dma_wait3A_452 = tpu.memref_squeeze %dma_wait3A_451 : memref<1x128x256xf32, #tpu.memory_space<vmem>> -> memref<128x256xf32, #tpu.memory_space<vmem>>
    %dma_wait3A_453 = arith.constant 0 : i32
    %dma_wait3A_454 = tpu.memref_slice %arg4[%add3A_353, %dma_wait3A_453] : memref<36864x256xf32, #tpu.memory_space<hbm>> -> memref<128x256xf32, #tpu.memory_space<hbm>>
    %dma_wait3A_455 = arith.constant 0 : i32
    %dma_wait3A_456 = tpu.memref_slice %arg4[%add3A_353, %dma_wait3A_455] : memref<36864x256xf32, #tpu.memory_space<hbm>> -> memref<128x256xf32, #tpu.memory_space<hbm>>
    %dma_wait3A_457 = arith.constant 0 : i32
    %dma_wait3A_458 = arith.constant 0 : i32
    %dma_wait3A_459 = tpu.memref_slice %arg6[%dma_wait3A_448, %dma_wait3A_457, %dma_wait3A_458] : memref<3x128x256xf32, #tpu.memory_space<vmem>> -> memref<1x128x256xf32, #tpu.memory_space<vmem>>
    %dma_wait3A_460 = tpu.memref_squeeze %dma_wait3A_459 : memref<1x128x256xf32, #tpu.memory_space<vmem>> -> memref<128x256xf32, #tpu.memory_space<vmem>>
    tpu.wait_dma2 semaphore(%arg8 : memref<!tpu.dma_semaphore, #tpu.memory_space<semaphore_mem>>) src(%dma_wait3A_460 : memref<128x256xf32, #tpu.memory_space<vmem>>) dst(%dma_wait3A_456 : memref<128x256xf32, #tpu.memory_space<hbm>>)
    %dma_wait3A_461 = arith.constant 1 : i32
    %dma_wait3A_462 = arith.constant 0 : i32
    %dma_wait3A_463 = arith.constant 0 : i32
    %dma_wait3A_464 = tpu.memref_slice %arg6[%dma_wait3A_461, %dma_wait3A_462, %dma_wait3A_463] : memref<3x128x256xf32, #tpu.memory_space<vmem>> -> memref<1x128x256xf32, #tpu.memory_space<vmem>>
    %dma_wait3A_465 = tpu.memref_squeeze %dma_wait3A_464 : memref<1x128x256xf32, #tpu.memory_space<vmem>> -> memref<128x256xf32, #tpu.memory_space<vmem>>
    %dma_wait3A_466 = arith.constant 0 : i32
    %dma_wait3A_467 = tpu.memref_slice %arg4[%add3A_407, %dma_wait3A_466] : memref<36864x256xf32, #tpu.memory_space<hbm>> -> memref<128x256xf32, #tpu.memory_space<hbm>>
    %dma_wait3A_468 = arith.constant 0 : i32
    %dma_wait3A_469 = tpu.memref_slice %arg4[%add3A_407, %dma_wait3A_468] : memref<36864x256xf32, #tpu.memory_space<hbm>> -> memref<128x256xf32, #tpu.memory_space<hbm>>
    %dma_wait3A_470 = arith.constant 0 : i32
    %dma_wait3A_471 = arith.constant 0 : i32
    %dma_wait3A_472 = tpu.memref_slice %arg6[%dma_wait3A_461, %dma_wait3A_470, %dma_wait3A_471] : memref<3x128x256xf32, #tpu.memory_space<vmem>> -> memref<1x128x256xf32, #tpu.memory_space<vmem>>
    %dma_wait3A_473 = tpu.memref_squeeze %dma_wait3A_472 : memref<1x128x256xf32, #tpu.memory_space<vmem>> -> memref<128x256xf32, #tpu.memory_space<vmem>>
    tpu.wait_dma2 semaphore(%arg8 : memref<!tpu.dma_semaphore, #tpu.memory_space<semaphore_mem>>) src(%dma_wait3A_473 : memref<128x256xf32, #tpu.memory_space<vmem>>) dst(%dma_wait3A_469 : memref<128x256xf32, #tpu.memory_space<hbm>>)
    %dma_wait3A_474 = arith.constant 2 : i32
    %dma_wait3A_475 = arith.constant 0 : i32
    %dma_wait3A_476 = arith.constant 0 : i32
    %dma_wait3A_477 = tpu.memref_slice %arg6[%dma_wait3A_474, %dma_wait3A_475, %dma_wait3A_476] : memref<3x128x256xf32, #tpu.memory_space<vmem>> -> memref<1x128x256xf32, #tpu.memory_space<vmem>>
    %dma_wait3A_478 = tpu.memref_squeeze %dma_wait3A_477 : memref<1x128x256xf32, #tpu.memory_space<vmem>> -> memref<128x256xf32, #tpu.memory_space<vmem>>
    %dma_wait3A_479 = arith.constant 0 : i32
    %dma_wait3A_480 = tpu.memref_slice %arg4[%add3A_434, %dma_wait3A_479] : memref<36864x256xf32, #tpu.memory_space<hbm>> -> memref<128x256xf32, #tpu.memory_space<hbm>>
    %dma_wait3A_481 = arith.constant 0 : i32
    %dma_wait3A_482 = tpu.memref_slice %arg4[%add3A_434, %dma_wait3A_481] : memref<36864x256xf32, #tpu.memory_space<hbm>> -> memref<128x256xf32, #tpu.memory_space<hbm>>
    %dma_wait3A_483 = arith.constant 0 : i32
    %dma_wait3A_484 = arith.constant 0 : i32
    %dma_wait3A_485 = tpu.memref_slice %arg6[%dma_wait3A_474, %dma_wait3A_483, %dma_wait3A_484] : memref<3x128x256xf32, #tpu.memory_space<vmem>> -> memref<1x128x256xf32, #tpu.memory_space<vmem>>
    %dma_wait3A_486 = tpu.memref_squeeze %dma_wait3A_485 : memref<1x128x256xf32, #tpu.memory_space<vmem>> -> memref<128x256xf32, #tpu.memory_space<vmem>>
    tpu.wait_dma2 semaphore(%arg8 : memref<!tpu.dma_semaphore, #tpu.memory_space<semaphore_mem>>) src(%dma_wait3A_486 : memref<128x256xf32, #tpu.memory_space<vmem>>) dst(%dma_wait3A_482 : memref<128x256xf32, #tpu.memory_space<hbm>>)
    return
  }
}

module attributes {stable_mosaic.version = 14 : i64} {
  func.func @_tc_body(%arg0: i32, %arg1: memref<4096x256xf32, #tpu.memory_space<vmem>>, %arg2: memref<1024x256xf32, #tpu.memory_space<vmem>>, %arg3: memref<1x1024xf32, #tpu.memory_space<vmem>>, %arg4: memref<1x1024xf32, #tpu.memory_space<vmem>>, %arg5: memref<4096x1xi32, #tpu.memory_space<vmem>>, %arg6: memref<4096x1xi32, #tpu.memory_space<vmem>>, %arg7: memref<4096x1xf32, #tpu.memory_space<vmem>>, %arg8: memref<1x1x1xi32, #tpu.memory_space<smem>>) attributes {dimension_semantics = [#tpu.dimension_semantics<arbitrary>], iteration_bounds = array<i64: 9>, scalar_prefetch = 0 : i64, scratch_operands = 0 : i64, tpu.core_type = #tpu.core_type<tc>, window_params = [{transform_indices = @transform_0, window_bounds = array<i64: 4096, 256>}, {pipeline_mode = #tpu.pipeline_mode<synchronous>, transform_indices = @transform_1, window_bounds = array<i64: 1024, 256>}, {pipeline_mode = #tpu.pipeline_mode<synchronous>, transform_indices = @transform_2, window_bounds = array<i64: 1, 1024>}, {pipeline_mode = #tpu.pipeline_mode<synchronous>, transform_indices = @transform_3, window_bounds = array<i64: 1, 1024>}, {transform_indices = @transform_4, window_bounds = array<i64: 4096, 1>}, {transform_indices = @transform_5, window_bounds = array<i64: 4096, 1>}, {transform_indices = @transform_6, window_bounds = array<i64: 4096, 1>}, {transform_indices = @transform_7, window_bounds = array<i64: 1, 1, 1>}]} {
    %get3A = arith.constant 0 : index
    %get3A_0 = arith.constant 0 : index
    %get3A_1 = vector.load %arg1[%get3A, %get3A_0] : memref<4096x256xf32, #tpu.memory_space<vmem>>, vector<4096x256xf32>
    %get3A_2 = arith.constant 0 : index
    %get3A_3 = arith.constant 0 : index
    %get3A_4 = vector.load %arg2[%get3A_2, %get3A_3] : memref<1024x256xf32, #tpu.memory_space<vmem>>, vector<1024x256xf32>
    %dot_general3A = arith.constant dense<0.000000e+00> : vector<4096x1024xf32>
    %dot_general3A_5 = tpu.matmul %get3A_1, %get3A_4, %dot_general3A {dimension_numbers = #tpu.dot_dimension_numbers<[1], [1], [0], [0], [0, 0, 1, 0], [], []>, transpose_lhs_hint = false} : vector<4096x256xf32>, vector<1024x256xf32>, vector<4096x1024xf32> -> vector<4096x1024xf32>
    %mul3A = arith.mulf %get3A_1, %get3A_1 : vector<4096x256xf32>
    %reduce_sum3A = arith.constant dense<0.000000e+00> : vector<4096xf32>
    %reduce_sum3A_6 = vector.multi_reduction <add>, %mul3A, %reduce_sum3A [1] : vector<4096x256xf32> to vector<4096xf32>
    %broadcast_in_dim3A = vector.shape_cast %reduce_sum3A_6 : vector<4096xf32> to vector<4096x1xf32>
    %get3A_7 = arith.constant 0 : index
    %get3A_8 = arith.constant 0 : index
    %get3A_9 = vector.load %arg3[%get3A_7, %get3A_8] : memref<1x1024xf32, #tpu.memory_space<vmem>>, vector<1x1024xf32>
    %add3A = vector.broadcast %broadcast_in_dim3A : vector<4096x1xf32> to vector<4096x1024xf32>
    %add3A_10 = vector.broadcast %get3A_9 : vector<1x1024xf32> to vector<4096x1024xf32>
    %add3A_11 = arith.addf %add3A, %add3A_10 : vector<4096x1024xf32>
    %sub3A = arith.subf %add3A_11, %dot_general3A_5 : vector<4096x1024xf32>
    %reduce_min3A = arith.constant dense<0x7F800000> : vector<4096xf32>
    %reduce_min3A_12 = vector.multi_reduction <minimumf>, %sub3A, %reduce_min3A [1] : vector<4096x1024xf32> to vector<4096xf32>
    %broadcast_in_dim3A_13 = vector.shape_cast %reduce_min3A_12 : vector<4096xf32> to vector<4096x1xf32>
    %eq3A = vector.broadcast %broadcast_in_dim3A_13 : vector<4096x1xf32> to vector<4096x1024xf32>
    %eq3A_14 = arith.cmpf oeq, %sub3A, %eq3A : vector<4096x1024xf32>
    %get3A_15 = arith.constant 0 : index
    %get3A_16 = arith.constant 0 : index
    %get3A_17 = vector.load %arg4[%get3A_15, %get3A_16] : memref<1x1024xf32, #tpu.memory_space<vmem>>, vector<1x1024xf32>
    %jit3A = arith.constant 1.024000e+03 : f32
    %broadcast_in_dim3A_18 = vector.shape_cast %get3A_17 : vector<1x1024xf32> to vector<1x1024xf32>
    %broadcast_in_dim3A_19 = vector.broadcast %broadcast_in_dim3A_18 : vector<1x1024xf32> to vector<4096x1024xf32>
    %broadcast_in_dim3A_20 = vector.broadcast %jit3A : f32 to vector<4096x1024xf32>
    %select_n3A = arith.select %eq3A_14, %broadcast_in_dim3A_19, %broadcast_in_dim3A_20 : vector<4096x1024xi1>, vector<4096x1024xf32>
    %reduce_min3A_21 = arith.constant dense<0x7F800000> : vector<4096xf32>
    %reduce_min3A_22 = vector.multi_reduction <minimumf>, %select_n3A, %reduce_min3A_21 [1] : vector<4096x1024xf32> to vector<4096xf32>
    %broadcast_in_dim3A_23 = vector.shape_cast %reduce_min3A_22 : vector<4096xf32> to vector<4096x1xf32>
    %convert_element_type3A = arith.fptosi %broadcast_in_dim3A_23 : vector<4096x1xf32> to vector<4096x1xi32>
    %swap3A = arith.constant 0 : index
    %swap3A_24 = arith.constant 0 : index
    %swap3A_25 = vector.load %arg6[%swap3A, %swap3A_24] : memref<4096x1xi32, #tpu.memory_space<vmem>>, vector<4096x1xi32>
    tpu.vector_store %arg6[%swap3A, %swap3A_24], %convert_element_type3A {strides = array<i32>} : memref<4096x1xi32, #tpu.memory_space<vmem>>, vector<4096x1xi32>,
    %mul3A_26 = arith.constant 3.906250e-03 : f32
    %mul3A_27 = vector.broadcast %mul3A_26 : f32 to vector<4096x1xf32>
    %mul3A_28 = arith.mulf %broadcast_in_dim3A_13, %mul3A_27 : vector<4096x1xf32>
    %mul3A_29 = arith.constant 2.500000e-01 : f32
    %mul3A_30 = vector.broadcast %mul3A_29 : f32 to vector<4096x1xf32>
    %mul3A_31 = arith.mulf %mul3A_30, %mul3A_28 : vector<4096x1xf32>
    %add3A_32 = arith.addf %mul3A_28, %mul3A_31 : vector<4096x1xf32>
    %swap3A_33 = arith.constant 0 : index
    %swap3A_34 = arith.constant 0 : index
    %swap3A_35 = vector.load %arg7[%swap3A_33, %swap3A_34] : memref<4096x1xf32, #tpu.memory_space<vmem>>, vector<4096x1xf32>
    tpu.vector_store %arg7[%swap3A_33, %swap3A_34], %add3A_32 {strides = array<i32>} : memref<4096x1xf32, #tpu.memory_space<vmem>>, vector<4096x1xf32>,
    %get3A_36 = arith.constant 0 : index
    %get3A_37 = arith.constant 0 : index
    %get3A_38 = vector.load %arg5[%get3A_36, %get3A_37] : memref<4096x1xi32, #tpu.memory_space<vmem>>, vector<4096x1xi32>
    %eq3A_39 = arith.cmpi eq, %get3A_38, %convert_element_type3A : vector<4096x1xi32>
    %convert_element_type3A_40 = arith.extui %eq3A_39 : vector<4096x1xi1> to vector<4096x1xi32>
    %reduce_sum3A_41 = vector.shape_cast %convert_element_type3A_40 : vector<4096x1xi32> to vector<1x4096x1xi32>
    %reduce_sum3A_42 = arith.constant dense<0> : vector<1xi32>
    %reduce_sum3A_43 = vector.multi_reduction <add>, %reduce_sum3A_41, %reduce_sum3A_42 [1, 2] : vector<1x4096x1xi32> to vector<1xi32>
    %reduce_sum3A_44 = vector.shape_cast %reduce_sum3A_43 : vector<1xi32> to vector<1x1x1xi32>
    %reduce_sum3A_45 = vector.extract %reduce_sum3A_44[0, 0, 0] : i32 from vector<1x1x1xi32>
    %swap3A_46 = arith.constant 0 : index
    %swap3A_47 = arith.constant 0 : index
    %swap3A_48 = arith.constant 0 : index
    %swap3A_49 = memref.load %arg8[%swap3A_46, %swap3A_47, %swap3A_48] : memref<1x1x1xi32, #tpu.memory_space<smem>>
    memref.store %reduce_sum3A_45, %arg8[%swap3A_46, %swap3A_47, %swap3A_48] : memref<1x1x1xi32, #tpu.memory_space<smem>>
    return
  }
  func.func @transform_0(%arg0: i32) -> (i32, i32) {
    %c0_i32 = arith.constant 0 : i32
    %c0_i32_0 = arith.constant 0 : i32
    return %arg0, %c0_i32 : i32, i32
  }
  func.func @transform_1(%arg0: i32) -> (i32, i32) {
    %c0_i32 = arith.constant 0 : i32
    %c0_i32_0 = arith.constant 0 : i32
    %c0_i32_1 = arith.constant 0 : i32
    return %c0_i32, %c0_i32_0 : i32, i32
  }
  func.func @transform_2(%arg0: i32) -> (i32, i32) {
    %c0_i32 = arith.constant 0 : i32
    %c0_i32_0 = arith.constant 0 : i32
    %c0_i32_1 = arith.constant 0 : i32
    return %c0_i32, %c0_i32_0 : i32, i32
  }
  func.func @transform_3(%arg0: i32) -> (i32, i32) {
    %c0_i32 = arith.constant 0 : i32
    %c0_i32_0 = arith.constant 0 : i32
    %c0_i32_1 = arith.constant 0 : i32
    return %c0_i32, %c0_i32_0 : i32, i32
  }
  func.func @transform_4(%arg0: i32) -> (i32, i32) {
    %c0_i32 = arith.constant 0 : i32
    %c0_i32_0 = arith.constant 0 : i32
    return %arg0, %c0_i32 : i32, i32
  }
  func.func @transform_5(%arg0: i32) -> (i32, i32) {
    %c0_i32 = arith.constant 0 : i32
    %c0_i32_0 = arith.constant 0 : i32
    return %arg0, %c0_i32 : i32, i32
  }
  func.func @transform_6(%arg0: i32) -> (i32, i32) {
    %c0_i32 = arith.constant 0 : i32
    %c0_i32_0 = arith.constant 0 : i32
    return %arg0, %c0_i32 : i32, i32
  }
  func.func @transform_7(%arg0: i32) -> (i32, i32, i32) {
    %c0_i32 = arith.constant 0 : i32
    %c0_i32_0 = arith.constant 0 : i32
    %c0_i32_1 = arith.constant 0 : i32
    return %arg0, %c0_i32, %c0_i32_0 : i32, i32, i32
  }
}

</mosaic_0001>

<sc_bundles>
// kernel: kernel.4.cloned.1.call-start
scs
__scs_entry_jumppad:
0x0: {  	(pc) =	sbr.rel $0x88, $3  }
0x1: {  	(tag) =	ssettag $0x0;
	lr =	simm.s32 $0x1  }
0x2: {  	[smem:$0x3F9E] =	sst lr;
	_ =	strace $0xD0000000  }
0x3: {  	_ = 	snop  }
0x4: {  	_ = 	snop  }
0x5: {  	_ = 	snop  }
0x6: {  	_ = 	snop  }
0x7: {  	_ = 	snop  }
__scs_overlays_trampoline_lowered:
0x8: {  	[smem:$0x3FAD] =	sst s0  }
0x9: {  	[smem:$0x3FAE] =	sst s1  }
0xa: {  	[smem:$0x3FAF] =	sst s2  }
0xb: {  	[smem:$0x3FB0] =	sst s3  }
0xc: {  	[smem:$0x3FB1] =	sst s4  }
0xd: {  	[smem:$0x3FB2] =	sst s5  }
0xe: {  	[smem:$0x3FB3] =	sst s6  }
0xf: {  	[smem:$0x3FB4] =	sst s7  }
0x10: {  	[smem:$0x3FB5] =	sst s8  }
0x11: {  	[smem:$0x3FB6] =	sst s9;
	s0 =	simm.s32 @!p0 $0x0  }
0x12: {  	s1 =	sld [smem:$0x3F9C];
	s0 =	simm.s32 @p0 $0x1  }
0x13: {  	[smem:$0x3FB7] =	sst s0;
	s0 =	simm.s32 @!p1 $0x0  }
0x14: {  	s2 =	sld [smem:$0x3F9B];
	s0 =	simm.s32 @p1 $0x1  }
0x15: {  	[smem:$0x3FB8] =	sst s0;
	s0 =	simm.s32 @!p2 $0x0  }
0x16: {  	s3 =	sld [smem:$0x3FDB];
	s0 =	simm.s32 @p2 $0x1  }
0x17: {  	s4 =	simm.s32 $0x1BF5;
	[smem:$0x3FBA] =	sst s0  }
0x18: {  	s0 =	sld [smem:$0x3F9D];
	_ =	swait.ge [sflag:s4], $0x0  }
0x19: {  	s7 =	sld [smem:$0x3F9E]  }
0x1a: {  	s8 =	sadd.s32 $0xFFFFE003, lr  }
0x1b: {  	s9 =	sadd.s32 $0xFFFFFEF7, lr;
	s5 =	simm.s32 $0xFFFFFFFF;
	p2 =	slt.u32 s8, $0xFFFFF086  }
0x1c: {  	p1 =	slt.u32 s9, $0xF7A;
	s5 =	simm.s32 @!p2 $0x0  }
0x1d: {  	s5 =	simm.s32 @p1 $0x1;
	p0 =	seq.s32 s7, s2  }
0x1e: {  	s7 =	smul.u32 @!p0 $0xF7A, s2;
	p2 =	seq.s32 @!p0 s5, $0x0  }
0x1f: {  	s9 =	smul.u32 $0xF7A, s1;
	s8 =	simm.s32 @!p0 $0x1BF5;
	p2 =	por !p2, p0  }
0x20: {  	[sflag:s8] =	ssyncset.s32 @!p0 $0xFFFFF086;
	s6 =	sadd.s32 @!p0 s3, s7;
	s7 =	simm.s32 @!p0 $0x108  }
0x21: {  	s3 =	sadd.s32 s3, s9;
	s6 =	sadd.s32 @!p0 $0x88, s6;
	s7 =	simm.s32 @p2 $0x1082  }
0x22: {  	[simem:s7], [sflag:s8] =	dma.local @!p0 [hbm:s6], $0xF7A  }
0x23: {  	s9 =	sor.u32 $0xD0000000, s2;
	s6 =	simm.s32 $0x108;
	_ =	swait.ge @!p0 [sflag:s8], $0x0  }
0x24: {  	s3 =	sadd.s32 $0x88, s3;
	s6 =	simm.s32 @!p1 $0x1082;
	[sflag:s4] =	ssyncset.s32 $0xFFFFF086  }
0x25: {  	[simem:s6], [sflag:s4] =	dma.local [hbm:s3], $0xF7A  }
0x26: {  	[smem:$0x3F9E] =	sst s1;
	(tag) =	ssettag s2;
	_ =	strace s9  }
0x27: {  	s1 =	sld [smem:$0x3FAE]  }
0x28: {  	s2 =	sld [smem:$0x3FAF]  }
0x29: {  	s4 =	sld [smem:$0x3FB1]  }
0x2a: {  	p0 =	seq.s32 s5, $0x0;
	s5 =	sld [smem:$0x3FB2]  }
0x2b: {  	s6 =	sld [smem:$0x3FB3]  }
0x2c: {  	s7 =	sld [smem:$0x3FB4]  }
0x2d: {  	s3 =	simm.s32 $0x108;
	s8 =	sld [smem:$0x3FB5]  }
0x2e: {  	s3 =	simm.s32 @!p0 $0x1082;
	s9 =	sld [smem:$0x3FB6]  }
0x2f: {  	lr =	sadd.s32 s0, s3;
	s0 =	sld [smem:$0x3FAD]  }
0x30: {  	s3 =	sld [smem:$0x3FB0]  }
0x31: {  	[smem:$0x3FB9] =	sst s10  }
0x32: {  	s10 =	sld [smem:$0x3FB7];
	_ =	sdelay $0x3  }
0x33: {  	p0 =	seq.s32 s10, $0x1;
	s10 =	sld [smem:$0x3FB9];
	_ =	sdelay $0x3  }
0x34: {  	[smem:$0x3FB9] =	sst s10  }
0x35: {  	s10 =	sld [smem:$0x3FB8];
	_ =	sdelay $0x3  }
0x36: {  	p1 =	seq.s32 s10, $0x1;
	s10 =	sld [smem:$0x3FB9];
	_ =	sdelay $0x3  }
0x37: {  	[smem:$0x3FB9] =	sst s10  }
0x38: {  	s10 =	sld [smem:$0x3FBA]  }
0x39: {  	_ = 	snop;
	(pc) =	sbr.ind lr, $3  }
0x3a: {  	_ = 	snop  }
0x3b: {  	_ = 	snop  }
0x3c: {  	p2 =	seq.s32 s10, $0x1;
	s10 =	sld [smem:$0x3FB9]  }
0x3d: {  	_ =	shalt  }
0x3e: {  	_ =	shalt  }
0x3f: {  	_ =	shalt  }
0x40: {  	_ =	shalt  }
0x41: {  	_ =	shalt  }
0x42: {  	_ =	shalt  }
0x43: {  	_ =	shalt  }
0x44: {  	_ =	shalt  }
0x45: {  	_ =	shalt  }
0x46: {  	_ =	shalt  }
0x47: {  	_ =	shalt  }
0x48: {  	_ =	shalt  }
0x49: {  	_ =	shalt  }
0x4a: {  	_ =	shalt  }
0x4b: {  	_ =	shalt  }
0x4c: {  	_ =	shalt  }
0x4d: {  	_ =	shalt  }
0x4e: {  	_ =	shalt  }
0x4f: {  	_ =	shalt  }
0x50: {  	_ =	shalt  }
0x51: {  	_ =	shalt  }
0x52: {  	_ =	shalt  }
0x53: {  	_ =	shalt  }
0x54: {  	_ =	shalt  }
0x55: {  	_ =	shalt  }
0x56: {  	_ =	shalt  }
0x57: {  	_ =	shalt  }
0x58: {  	_ =	shalt  }
0x59: {  	_ =	shalt  }
0x5a: {  	_ =	shalt  }
0x5b: {  	_ =	shalt  }
0x5c: {  	_ =	shalt  }
0x5d: {  	_ =	shalt  }
0x5e: {  	_ =	shalt  }
0x5f: {  	_ =	shalt  }
0x60: {  	_ =	shalt  }
0x61: {  	_ =	shalt  }
0x62: {  	_ =	shalt  }
0x63: {  	_ =	shalt  }
0x64: {  	_ =	shalt  }
0x65: {  	_ =	shalt  }
0x66: {  	_ =	shalt  }
0x67: {  	_ =	shalt  }
0x68: {  	_ =	shalt  }
0x69: {  	_ =	shalt  }
0x6a: {  	_ =	shalt  }
0x6b: {  	_ =	shalt  }
0x6c: {  	_ =	shalt  }
0x6d: {  	_ =	shalt  }
0x6e: {  	_ =	shalt  }
0x6f: {  	_ =	shalt  }
0x70: {  	_ =	shalt  }
0x71: {  	_ =	shalt  }
0x72: {  	_ =	shalt  }
0x73: {  	_ =	shalt  }
0x74: {  	_ =	shalt  }
0x75: {  	_ =	shalt  }
0x76: {  	_ =	shalt  }
0x77: {  	_ =	shalt  }
0x78: {  	_ =	shalt  }
0x79: {  	_ =	shalt  }
0x7a: {  	_ =	shalt  }
0x7b: {  	_ =	shalt  }
0x7c: {  	_ =	shalt  }
0x7d: {  	_ =	shalt  }
0x7e: {  	_ =	shalt  }
0x7f: {  	_ =	shalt  }
0x80: {  	_ =	shalt  }
0x81: {  	_ =	shalt  }
0x82: {  	_ =	shalt  }
0x83: {  	_ =	shalt  }
0x84: {  	_ =	shalt  }
0x85: {  	_ =	shalt  }
0x86: {  	_ =	shalt  }
0x87: {  	_ =	shalt  }
.Lfunc_end0:
.L_simem_size_0:
called_computation_lowered:
.L_overlay_start_0:
0x88: {  	s2 =	sld [smem:$0x3FD9]  }
0x89: {  	s3 =	sld [smem:$0x3FFE];
	_ =	sdelay $0x1  }
0x8a: {  	s1 =	srdreg.scid  }
0x8b: {  	s0 =	sand.u32 $0x1, s1  }
0x8c: {  	s14 =	sshll.u32 s0, $0xA;
	s2 =	sadd.s32 s3, s2  }
0x8d: {  	s2 =	sadd.s32 s2, s14  }
0x8e: {  	[smem:$0x3FC5] =	sst s2  }
0x8f: {  	_ = 	snop  }
0x90: {  	s2 =	sld [smem:$0x3FD0];
	_ =	sdelay $0x2  }
0x91: {  	s4 =	simm.s32 $0xA;
	s5 =	simm.s32 $0x10;
	s15 =	sld [smem:$0x3FC7]  }
0x92: {  	[smem:s5], [sflag:s4] =	dma.local [hbm:s2], $0x1  }
0x93: {  	_ =	swait.eq [sflag:s4], $0x1  }
0x94: {  	[sflag:s4] =	ssyncset.done $0x0  }
0x95: {  	[sflag:s4] =	ssyncadd.s32 $0xFFFFFFFF  }
0x96: {  	s16 =	sld [smem:$0x10];
	(tm) =	ssettm $0x1  }
0x97: {  	s17 =	sld [smem:$0x3FFB];
	_ =	sdelay $0x3  }
0x98: {  	_ =	strace s17  }
0x99: {  	s4 =	sld [smem:$0x3FFC];
	_ =	sdelay $0x3  }
0x9a: {  	_ =	strace s4  }
0x9b: {  	s4 =	sld [smem:$0x3FFD];
	_ =	sdelay $0x3  }
0x9c: {  	_ =	strace s4  }
0x9d: {  	_ =	strace $0x8FFFFFFF  }
0x9e: {  	s18 =	sld [smem:$0x3FDB];
	_ =	sdelay $0x1  }
0x9f: {  	s19 =	simm.s32 $_scs_section_size  }
0xa0: {  	s6 =	simm.s32 $_size__tile_overlayer_lowered;
	s7 =	simm.s32 $_tile_overlayer_lowered  }
0xa1: {  	s22 =	simm.s32 $0x1BFF;
	s21 =	sshll.u32 s7, $0x1;
	s4 =	sadd.s32 s19, s18  }
0xa2: {  	s8 =	simm.s32 $0x0;
	s20 =	sshll.u32 s6, $0x1;
	s6 =	sadd.s32 s21, s4  }
0xa3: {  	[timem:s8], [sflag:s22] =	dma.local [hbm:s6], s20  }
0xa4: {  	_ =	swait.ge [sflag:s22], s20  }
0xa5: {  	s5 =	ssub.s32 $0x0, s20;
	[sflag:s22] =	ssyncset.done $0x0  }
0xa6: {  	[sflag:s22] =	ssyncadd.s32 s5;
	_ =	sdelay $0x1  }
0xa7: {  	s23 =	simm.s32 $0x1B8B  }
0xa8: {  	_ =	swait.ge [sflag:s23], $0x1  }
0xa9: {  	[sflag:s23] =	ssyncset.done $0x0  }
0xaa: {  	s25 =	simm.s32 $0x1B8E;
	s24 =	sld [smem:$0x3FFE];
	[sflag:s23] =	ssyncadd.s32 $0xFFFFFFFF  }
0xab: {  	s26 =	simm.s32 $execute0_lowered;
	[smem:$0x3FD2] =	sst s25  }
0xac: {  	s6 =	sshll.u32 s26, $0x1;
	_ =	strace $0x80000046;
	[dreg:$0x1] =	wrdreg $0xFFFFFFFF  }
0xad: {  	s28 =	simm.s32 $_size_execute0_lowered;
	s4 =	sadd.s32 s4, s6;
	[dreg:$0x0] =	wrdreg $0x0  }
0xae: {  	s6 =	sshll.u32 s28, $0x1;
	[dreg:$0x2] =	wrdreg s4  }
0xaf: {  	[dreg:$0x3] =	wrdreg s6  }
0xb0: {  	[dreg:$0x4] =	wrdreg $0xC0  }
0xb1: {  	_ =	task [dreg:s8], $0x5FFFF  }
0xb2: {  	[dreg:$0x1] =	wrdreg $0xFFFFFFFF  }
0xb3: {  	[dreg:$0x0] =	wrdreg $0x60  }
0xb4: {  	[dreg:$0x2] =	wrdreg s15  }
0xb5: {  	[dreg:$0x3] =	wrdreg s24  }
0xb6: {  	[dreg:$0x4] =	wrdreg s16  }
0xb7: {  	[dreg:$0x5] =	wrdreg $0x9  }
0xb8: {  	_ =	task.clear_ibuf [dreg:s8], $0x6FFFF;
	_ =	strace $0x90000046  }
0xb9: {  	s29 =	simm.s32 $0x9;
	_ =	strace $0x80000048  }
0xba: {  	_ =	swait.ge [sflag:s29], $0x1  }
0xbb: {  	[sflag:s29] =	ssyncadd.s32 $0xFFFFFFFF  }
0xbc: {  	_ =	strace $0x90000048  }
0xbd: {  	_ =	sfence  }
0xbe: {  	s30 =	sld [smem:$0x0];
	_ =	sdelay $0x2  }
0xbf: {  	s31 =	sshll.u32 s1, $0xD;
	s1 =	sshrl.u32 s1, $0x2  }
0xc0: {  	s3 =	sand.u32 $0x4000, s31;
	s1 =	sadd.s32 s1, s30  }
0xc1: {  	s0 =	sor.u32 s3, s0;
	s1 =	sshll.u32 s1, $0x11  }
0xc2: {  	s0 =	sor.u32 s1, s0  }
0xc3: {  	s0 =	sadd.s32 $0x8F2B, s0  }
0xc4: {  	[sflag:s0] =	ssyncadd.remote.s32 $0x1  }
0xc5: {  	_ =	sfence.sel $0xFFFF  }
0xc6: {  	[dreg:$0x0] =	wrdreg $0xFFFFFFFF;
	(pc) =	sbr.abs _section_cstart, $3  }
0xc7: {  	[dreg:$0x1] =	wrdreg $0xFFFFFFFF  }
0xc8: {  	_ =	task.clear_ibuf [dreg:s8], $0x2FFFF;
	_ =	strace $0x9FFFFFFF  }
0xc9: {  	(tm) =	ssettm $0x7FFFFFFF  }
tec
execute0_lowered:
.L_overlay_start_1:
0x0: {  	(tag) =	ssettag $0x1  }
0x1: {  	s1 =	rddreg [dreg:$0x0]  }
0x2: {  	s0 =	rddreg [dreg:$0x1];
	s2 =	srdreg.scid  }
0x3: {  	s3 =	stileid.u32;
	s4 =	rddreg [dreg:$0x2];
	s11 =	simm.s32 $0x1  }
0x4: {  	s30 =	simm.s32 $0x2;
	s8 =	simm.s32 $0x3000;
	s9 =	simm.s32 $0x3800  }
0x5: {  	s10 =	simm.s32 $0x4000;
	s13 =	simm.s32 $0x4800;
	s14 =	simm.s32 $0x5000  }
0x6: {  	s15 =	simm.s32 $0x5800;
	s16 =	simm.s32 $0x6000;
	s12 =	simm.s32 $0x8800  }
0x7: {  	s28 =	simm.s32 $0xB800;
	s2 =	sand.u32 $0x1, s2;
	s3 =	sshll.u32 s3, $0x1  }
0x8: {  	s29 =	simm.s32 $0xC000;
	s5 =	sor.u32 s2, s3;
	s3 =	simm.s32 $0x0  }
0x9: {  	s2 =	ssub.s32 $0x2, s2;
	s6 =	sshll.u32 s5, $0x8;
	s7 =	smul.u32 $0x48000, s5  }
0xa: {  	[smem:$0x7FF] =	sst s3;
	s5 =	smul.u32 $0x9000, s5;
	s0 =	sadd.s32 s6, s0  }
0xb: {  	_ =	strace $0x80000047;
	s0 =	sadd.s32 $0x90000, s0;
	s17 =	sshrl.u32 s7, $0x3  }
0xc: {  	s18 =	sadd.s32 s4, s5;
	[dreg:$0x4] =	wrdreg s0;
	s4 =	sadd.s32 s4, s17  }
0xd: {  	s25 =	sshrl.u32 s2, $0x1;
	[dreg:$0x5] =	wrdreg s18;
	s19 =	sadd.s32 $0x1000, s4  }
0xe: {  	s2 =	ssub.s32 s2, s25;
	s20 =	sadd.s32 $0x2000, s4;
	[dreg:$0x6] =	wrdreg s19  }
0xf: {  	s6 =	simm.s32 $0x1800;
	s21 =	sadd.s32 $0x3000, s4;
	[dreg:$0x7] =	wrdreg s20  }
0x10: {  	s25 =	simm.s32 $0xA800;
	s22 =	sadd.s32 $0x4000, s4;
	[dreg:$0x8] =	wrdreg s21  }
0x11: {  	s5 =	simm.s32 $0x2000;
	s23 =	sadd.s32 $0x5000, s4;
	[dreg:$0x9] =	wrdreg s22  }
0x12: {  	s7 =	simm.s32 $0x2800;
	s24 =	sadd.s32 $0x6000, s4;
	[dreg:$0xa] =	wrdreg s23  }
0x13: {  	s17 =	simm.s32 $0x6800;
	s26 =	sadd.s32 $0x7000, s4;
	[dreg:$0xb] =	wrdreg s24  }
0x14: {  	s18 =	simm.s32 $0x7000;
	s31 =	sadd.s32 $0x8000, s4;
	[dreg:$0xc] =	wrdreg s26  }
0x15: {  	v2 =	vlaneseq.u32;
	s4 =	smax.u32 s2, $0x1;
	[dreg:$0xd] =	wrdreg s31;
	s22 =	simm.s32 $0x800  }
0x16: {  	vm0 =	vmmov $0xffff;
	v1 =	vshrl.u32 v2, $0x3;
	s19 =	simm.s32 $0x7800;
	s20 =	simm.s32 $0x8000;
	s21 =	simm.s32 $0x9000  }
0x17: {  	v0 =	vand.u32 $0x7, v2;
	v2 =	vor.u32 $0x8, v2;
	v1 =	vmul.u32 $0x8, v1;
	s23 =	simm.s32 $0x9800;
	s24 =	simm.s32 $0xA000;
	s26 =	simm.s32 $0xB000  }
.LBB2_1:
0x18: {  	s31 =	rddreg [dreg:$0x4];
	s2 =	simm.s32 $0x3  }
0x19: {  	[tilespmem:s3], [sflag:$0x3] =	stream.linear.gather [hbm4b:s31+s3], $0x480, $0x38;
	[tilespmem:$0x18800] =	vst v63  }
0x1a: {  	_ =	swait.ge [sflag:s2], $0x480  }
0x1b: {  	[sflag:s2] =	ssyncset.done $0x0  }
0x1c: {  	[sflag:s2] =	ssyncadd.s32 $0xFFFFFB80  }
0x1d: {  	v3 =	vld [tilespmem:$0x0];
	_ =	sdelay $0x4  }
0x1e: {  	v4 =	vshll.u32 v3, $0x1  }
0x1f: {  	v3 =	vand.u32 $0x7, v3;
	v4 =	vand.u32 $0xFFFFFFF0, v4  }
0x20: {  	v3 =	vor.u32 v3, v4  }
0x21: {  	v4 =	vperm.xlane v3, v0;
	_ =	sdelay $0x1  }
0x22: {  	v3 =	vperm.xlane v3, v2;
	v4 =	vadd.s32 v1, v4;
	_ =	sdelay $0x1  }
0x23: {  	v3 =	vadd.s32 v1, v3;
	_ =	sdelay $0x2  }
0x24: {  	[tilespmem:s22], [sflag:$0x1] =	stream.indirect_vreg.gather [hbm4b:s1+s3], $0x80, v4, vm0, $0xb8;
	[tilespmem:$0x18800] =	vst v63  }
0x25: {  	s2 =	simm.s32 $0x1000  }
0x26: {  	[tilespmem:s2], [sflag:$0x1] =	stream.indirect_vreg.gather [hbm4b:s1+s3], $0x80, v3, vm0, $0xb8;
	[tilespmem:$0x18800] =	vst v63  }
0x27: {  	v3 =	vld [tilespmem:$0x10];
	_ =	sdelay $0x4  }
0x28: {  	v49 =	vshll.u32 v3, $0x1  }
0x29: {  	v3 =	vand.u32 $0x7, v3;
	v4 =	vand.u32 $0xFFFFFFF0, v49  }
0x2a: {  	v3 =	vor.u32 v3, v4  }
0x2b: {  	v4 =	vperm.xlane v3, v0;
	_ =	sdelay $0x1  }
0x2c: {  	v3 =	vperm.xlane v3, v2;
	v4 =	vadd.s32 v1, v4;
	_ =	sdelay $0x1  }
0x2d: {  	v3 =	vadd.s32 v1, v3;
	_ =	sdelay $0x2  }
0x2e: {  	[tilespmem:s6], [sflag:$0x1] =	stream.indirect_vreg.gather [hbm4b:s1+s3], $0x80, v4, vm0, $0xb8;
	[tilespmem:$0x18800] =	vst v63  }
0x2f: {  	_ = 	snop  }
0x30: {  	[tilespmem:s5], [sflag:$0x1] =	stream.indirect_vreg.gather [hbm4b:s1+s3], $0x80, v3, vm0, $0xb8;
	[tilespmem:$0x18800] =	vst v63  }
0x31: {  	v3 =	vld [tilespmem:$0x20];
	_ =	sdelay $0x4  }
0x32: {  	v50 =	vshll.u32 v3, $0x1  }
0x33: {  	v3 =	vand.u32 $0x7, v3;
	v4 =	vand.u32 $0xFFFFFFF0, v50  }
0x34: {  	v3 =	vor.u32 v3, v4  }
0x35: {  	v4 =	vperm.xlane v3, v0;
	_ =	sdelay $0x1  }
0x36: {  	v3 =	vperm.xlane v3, v2;
	v4 =	vadd.s32 v1, v4;
	_ =	sdelay $0x1  }
0x37: {  	v3 =	vadd.s32 v1, v3;
	_ =	sdelay $0x2  }
0x38: {  	[tilespmem:s7], [sflag:$0x1] =	stream.indirect_vreg.gather [hbm4b:s1+s3], $0x80, v4, vm0, $0xb8;
	[tilespmem:$0x18800] =	vst v63  }
0x39: {  	_ = 	snop  }
0x3a: {  	[tilespmem:s8], [sflag:$0x1] =	stream.indirect_vreg.gather [hbm4b:s1+s3], $0x80, v3, vm0, $0xb8;
	[tilespmem:$0x18800] =	vst v63  }
0x3b: {  	v3 =	vld [tilespmem:$0x30];
	_ =	sdelay $0x4  }
0x3c: {  	v51 =	vshll.u32 v3, $0x1  }
0x3d: {  	v3 =	vand.u32 $0x7, v3;
	v4 =	vand.u32 $0xFFFFFFF0, v51  }
0x3e: {  	v3 =	vor.u32 v3, v4  }
0x3f: {  	v4 =	vperm.xlane v3, v0;
	_ =	sdelay $0x1  }
0x40: {  	v3 =	vperm.xlane v3, v2;
	v4 =	vadd.s32 v1, v4;
	_ =	sdelay $0x1  }
0x41: {  	v3 =	vadd.s32 v1, v3;
	_ =	sdelay $0x2  }
0x42: {  	[tilespmem:s9], [sflag:$0x1] =	stream.indirect_vreg.gather [hbm4b:s1+s3], $0x80, v4, vm0, $0xb8;
	[tilespmem:$0x18800] =	vst v63  }
0x43: {  	_ = 	snop  }
0x44: {  	[tilespmem:s10], [sflag:$0x1] =	stream.indirect_vreg.gather [hbm4b:s1+s3], $0x80, v3, vm0, $0xb8;
	[tilespmem:$0x18800] =	vst v63  }
0x45: {  	v3 =	vld [tilespmem:$0x40];
	_ =	sdelay $0x4  }
0x46: {  	v52 =	vshll.u32 v3, $0x1  }
0x47: {  	v3 =	vand.u32 $0x7, v3;
	v4 =	vand.u32 $0xFFFFFFF0, v52  }
0x48: {  	v3 =	vor.u32 v3, v4  }
0x49: {  	v4 =	vperm.xlane v3, v0;
	_ =	sdelay $0x1  }
0x4a: {  	v3 =	vperm.xlane v3, v2;
	v4 =	vadd.s32 v1, v4;
	_ =	sdelay $0x1  }
0x4b: {  	v3 =	vadd.s32 v1, v3;
	_ =	sdelay $0x2  }
0x4c: {  	[tilespmem:s13], [sflag:$0x1] =	stream.indirect_vreg.gather [hbm4b:s1+s3], $0x80, v4, vm0, $0xb8;
	[tilespmem:$0x18800] =	vst v63  }
0x4d: {  	_ = 	snop  }
0x4e: {  	[tilespmem:s14], [sflag:$0x1] =	stream.indirect_vreg.gather [hbm4b:s1+s3], $0x80, v3, vm0, $0xb8;
	[tilespmem:$0x18800] =	vst v63  }
0x4f: {  	v3 =	vld [tilespmem:$0x50];
	_ =	sdelay $0x4  }
0x50: {  	v53 =	vshll.u32 v3, $0x1  }
0x51: {  	v3 =	vand.u32 $0x7, v3;
	v4 =	vand.u32 $0xFFFFFFF0, v53  }
0x52: {  	v3 =	vor.u32 v3, v4  }
0x53: {  	v4 =	vperm.xlane v3, v0;
	_ =	sdelay $0x1  }
0x54: {  	v3 =	vperm.xlane v3, v2;
	v4 =	vadd.s32 v1, v4;
	_ =	sdelay $0x1  }
0x55: {  	v3 =	vadd.s32 v1, v3;
	_ =	sdelay $0x2  }
0x56: {  	[tilespmem:s15], [sflag:$0x1] =	stream.indirect_vreg.gather [hbm4b:s1+s3], $0x80, v4, vm0, $0xb8;
	[tilespmem:$0x18800] =	vst v63  }
0x57: {  	_ = 	snop  }
0x58: {  	[tilespmem:s16], [sflag:$0x1] =	stream.indirect_vreg.gather [hbm4b:s1+s3], $0x80, v3, vm0, $0xb8;
	[tilespmem:$0x18800] =	vst v63  }
0x59: {  	v3 =	vld [tilespmem:$0x60];
	_ =	sdelay $0x4  }
0x5a: {  	v54 =	vshll.u32 v3, $0x1  }
0x5b: {  	v3 =	vand.u32 $0x7, v3;
	v4 =	vand.u32 $0xFFFFFFF0, v54  }
0x5c: {  	v3 =	vor.u32 v3, v4  }
0x5d: {  	v4 =	vperm.xlane v3, v0;
	_ =	sdelay $0x1  }
0x5e: {  	v3 =	vperm.xlane v3, v2;
	v4 =	vadd.s32 v1, v4;
	_ =	sdelay $0x1  }
0x5f: {  	v3 =	vadd.s32 v1, v3;
	_ =	sdelay $0x2  }
0x60: {  	[tilespmem:s17], [sflag:$0x1] =	stream.indirect_vreg.gather [hbm4b:s1+s3], $0x80, v4, vm0, $0xb8;
	[tilespmem:$0x18800] =	vst v63  }
0x61: {  	_ = 	snop  }
0x62: {  	[tilespmem:s18], [sflag:$0x1] =	stream.indirect_vreg.gather [hbm4b:s1+s3], $0x80, v3, vm0, $0xb8;
	[tilespmem:$0x18800] =	vst v63  }
0x63: {  	v3 =	vld [tilespmem:$0x70];
	_ =	sdelay $0x4  }
0x64: {  	v55 =	vshll.u32 v3, $0x1  }
0x65: {  	v3 =	vand.u32 $0x7, v3;
	v4 =	vand.u32 $0xFFFFFFF0, v55  }
0x66: {  	v3 =	vor.u32 v3, v4  }
0x67: {  	v4 =	vperm.xlane v3, v0;
	_ =	sdelay $0x1  }
0x68: {  	v3 =	vperm.xlane v3, v2;
	v4 =	vadd.s32 v1, v4;
	_ =	sdelay $0x1  }
0x69: {  	v3 =	vadd.s32 v1, v3;
	_ =	sdelay $0x2  }
0x6a: {  	[tilespmem:s19], [sflag:$0x1] =	stream.indirect_vreg.gather [hbm4b:s1+s3], $0x80, v4, vm0, $0xb8;
	[tilespmem:$0x18800] =	vst v63  }
0x6b: {  	_ = 	snop  }
0x6c: {  	[tilespmem:s20], [sflag:$0x1] =	stream.indirect_vreg.gather [hbm4b:s1+s3], $0x80, v3, vm0, $0xb8;
	[tilespmem:$0x18800] =	vst v63  }
0x6d: {  	v3 =	vld [tilespmem:$0x80];
	_ =	sdelay $0x4  }
0x6e: {  	v56 =	vshll.u32 v3, $0x1  }
0x6f: {  	v3 =	vand.u32 $0x7, v3;
	v4 =	vand.u32 $0xFFFFFFF0, v56  }
0x70: {  	v3 =	vor.u32 v3, v4  }
0x71: {  	v4 =	vperm.xlane v3, v0;
	_ =	sdelay $0x1  }
0x72: {  	v3 =	vperm.xlane v3, v2;
	v4 =	vadd.s32 v1, v4;
	_ =	sdelay $0x1  }
0x73: {  	v3 =	vadd.s32 v1, v3;
	_ =	sdelay $0x2  }
0x74: {  	[tilespmem:s12], [sflag:$0x1] =	stream.indirect_vreg.gather [hbm4b:s1+s3], $0x80, v4, vm0, $0xb8;
	[tilespmem:$0x18800] =	vst v63  }
0x75: {  	_ = 	snop  }
0x76: {  	[tilespmem:s21], [sflag:$0x1] =	stream.indirect_vreg.gather [hbm4b:s1+s3], $0x80, v3, vm0, $0xb8;
	[tilespmem:$0x18800] =	vst v63  }
0x77: {  	v3 =	vld [tilespmem:$0x90];
	_ =	sdelay $0x4  }
0x78: {  	v57 =	vshll.u32 v3, $0x1  }
0x79: {  	v3 =	vand.u32 $0x7, v3;
	v4 =	vand.u32 $0xFFFFFFF0, v57  }
0x7a: {  	v3 =	vor.u32 v3, v4  }
0x7b: {  	v4 =	vperm.xlane v3, v0;
	_ =	sdelay $0x1  }
0x7c: {  	v3 =	vperm.xlane v3, v2;
	v4 =	vadd.s32 v1, v4;
	_ =	sdelay $0x1  }
0x7d: {  	v3 =	vadd.s32 v1, v3;
	_ =	sdelay $0x2  }
0x7e: {  	[tilespmem:s23], [sflag:$0x1] =	stream.indirect_vreg.gather [hbm4b:s1+s3], $0x80, v4, vm0, $0xb8;
	[tilespmem:$0x18800] =	vst v63  }
0x7f: {  	_ = 	snop  }
0x80: {  	[tilespmem:s24], [sflag:$0x1] =	stream.indirect_vreg.gather [hbm4b:s1+s3], $0x80, v3, vm0, $0xb8;
	[tilespmem:$0x18800] =	vst v63  }
0x81: {  	v3 =	vld [tilespmem:$0xA0];
	_ =	sdelay $0x4  }
0x82: {  	v58 =	vshll.u32 v3, $0x1  }
0x83: {  	v3 =	vand.u32 $0x7, v3;
	v4 =	vand.u32 $0xFFFFFFF0, v58  }
0x84: {  	v3 =	vor.u32 v3, v4  }
0x85: {  	v4 =	vperm.xlane v3, v0;
	_ =	sdelay $0x1  }
0x86: {  	v3 =	vperm.xlane v3, v2;
	v4 =	vadd.s32 v1, v4;
	_ =	sdelay $0x1  }
0x87: {  	v3 =	vadd.s32 v1, v3;
	_ =	sdelay $0x2  }
0x88: {  	[tilespmem:s25], [sflag:$0x1] =	stream.indirect_vreg.gather [hbm4b:s1+s3], $0x80, v4, vm0, $0xb8;
	[tilespmem:$0x18800] =	vst v63  }
0x89: {  	_ = 	snop  }
0x8a: {  	[tilespmem:s26], [sflag:$0x1] =	stream.indirect_vreg.gather [hbm4b:s1+s3], $0x80, v3, vm0, $0xb8;
	[tilespmem:$0x18800] =	vst v63  }
0x8b: {  	v3 =	vld [tilespmem:$0xB0];
	_ =	sdelay $0x4  }
0x8c: {  	v59 =	vshll.u32 v3, $0x1  }
0x8d: {  	v3 =	vand.u32 $0x7, v3;
	v4 =	vand.u32 $0xFFFFFFF0, v59  }
0x8e: {  	v3 =	vor.u32 v3, v4  }
0x8f: {  	v4 =	vperm.xlane v3, v0;
	_ =	sdelay $0x1  }
0x90: {  	v3 =	vperm.xlane v3, v2;
	v4 =	vadd.s32 v1, v4;
	_ =	sdelay $0x1  }
0x91: {  	v3 =	vadd.s32 v1, v3;
	_ =	sdelay $0x2  }
0x92: {  	[tilespmem:s28], [sflag:$0x1] =	stream.indirect_vreg.gather [hbm4b:s1+s3], $0x80, v4, vm0, $0xb8;
	[tilespmem:$0x18800] =	vst v63  }
0x93: {  	_ = 	snop  }
0x94: {  	[tilespmem:s29], [sflag:$0x1] =	stream.indirect_vreg.gather [hbm4b:s1+s3], $0x80, v3, vm0, $0xb8;
	[tilespmem:$0x18800] =	vst v63  }
0x95: {  	v3 =	vld [tilespmem:$0xC0];
	_ =	sdelay $0x4  }
0x96: {  	v60 =	vshll.u32 v3, $0x1  }
0x97: {  	v3 =	vand.u32 $0x7, v3;
	v4 =	vand.u32 $0xFFFFFFF0, v60  }
0x98: {  	v3 =	vor.u32 v3, v4  }
0x99: {  	v4 =	vperm.xlane v3, v0;
	_ =	sdelay $0x1  }
0x9a: {  	v3 =	vperm.xlane v3, v2;
	v4 =	vadd.s32 v1, v4;
	_ =	sdelay $0x1  }
0x9b: {  	v3 =	vadd.s32 v1, v3;
	_ =	sdelay $0x1  }
0x9c: {  	s0 =	simm.s32 $0xC800  }
0x9d: {  	[tilespmem:s0], [sflag:$0x1] =	stream.indirect_vreg.gather [hbm4b:s1+s3], $0x80, v4, vm0, $0xb8;
	[tilespmem:$0x18800] =	vst v63  }
0x9e: {  	s31 =	simm.s32 $0xD000  }
0x9f: {  	[tilespmem:s31], [sflag:$0x1] =	stream.indirect_vreg.gather [hbm4b:s1+s3], $0x80, v3, vm0, $0xb8;
	[tilespmem:$0x18800] =	vst v63  }
0xa0: {  	v3 =	vld [tilespmem:$0xD0];
	_ =	sdelay $0x4  }
0xa1: {  	v61 =	vshll.u32 v3, $0x1  }
0xa2: {  	v3 =	vand.u32 $0x7, v3;
	v4 =	vand.u32 $0xFFFFFFF0, v61  }
0xa3: {  	v3 =	vor.u32 v3, v4  }
0xa4: {  	v4 =	vperm.xlane v3, v0;
	_ =	sdelay $0x1  }
0xa5: {  	v3 =	vperm.xlane v3, v2;
	v4 =	vadd.s32 v1, v4;
	_ =	sdelay $0x1  }
0xa6: {  	v3 =	vadd.s32 v1, v3;
	_ =	sdelay $0x1  }
0xa7: {  	s31 =	simm.s32 $0xD800  }
0xa8: {  	[tilespmem:s31], [sflag:$0x1] =	stream.indirect_vreg.gather [hbm4b:s1+s3], $0x80, v4, vm0, $0xb8;
	[tilespmem:$0x18800] =	vst v63  }
0xa9: {  	s31 =	simm.s32 $0xE000  }
0xaa: {  	[tilespmem:s31], [sflag:$0x1] =	stream.indirect_vreg.gather [hbm4b:s1+s3], $0x80, v3, vm0, $0xb8;
	[tilespmem:$0x18800] =	vst v63  }
0xab: {  	v3 =	vld [tilespmem:$0xE0];
	_ =	sdelay $0x4  }
0xac: {  	v62 =	vshll.u32 v3, $0x1  }
0xad: {  	v3 =	vand.u32 $0x7, v3;
	v4 =	vand.u32 $0xFFFFFFF0, v62  }
0xae: {  	v3 =	vor.u32 v3, v4  }
0xaf: {  	v4 =	vperm.xlane v3, v0;
	_ =	sdelay $0x1  }
0xb0: {  	v3 =	vperm.xlane v3, v2;
	v4 =	vadd.s32 v1, v4;
	_ =	sdelay $0x1  }
0xb1: {  	v3 =	vadd.s32 v1, v3;
	_ =	sdelay $0x1  }
0xb2: {  	s31 =	simm.s32 $0xE800  }
0xb3: {  	[tilespmem:s31], [sflag:$0x1] =	stream.indirect_vreg.gather [hbm4b:s1+s3], $0x80, v4, vm0, $0xb8;
	[tilespmem:$0x18800] =	vst v63  }
0xb4: {  	s31 =	simm.s32 $0xF000  }
0xb5: {  	[tilespmem:s31], [sflag:$0x1] =	stream.indirect_vreg.gather [hbm4b:s1+s3], $0x80, v3, vm0, $0xb8;
	[tilespmem:$0x18800] =	vst v63  }
0xb6: {  	v3 =	vld [tilespmem:$0xF0];
	_ =	sdelay $0x4  }
0xb7: {  	v63 =	vshll.u32 v3, $0x1  }
0xb8: {  	v3 =	vand.u32 $0x7, v3;
	v4 =	vand.u32 $0xFFFFFFF0, v63  }
0xb9: {  	v3 =	vor.u32 v3, v4  }
0xba: {  	v4 =	vperm.xlane v3, v0;
	_ =	sdelay $0x1  }
0xbb: {  	v3 =	vperm.xlane v3, v2;
	v4 =	vadd.s32 v1, v4;
	_ =	sdelay $0x1  }
0xbc: {  	v3 =	vadd.s32 v1, v3;
	_ =	sdelay $0x1  }
0xbd: {  	s31 =	simm.s32 $0xF800  }
0xbe: {  	[tilespmem:s31], [sflag:$0x1] =	stream.indirect_vreg.gather [hbm4b:s1+s3], $0x80, v4, vm0, $0xb8;
	[tilespmem:$0x18800] =	vst v63  }
0xbf: {  	s31 =	simm.s32 $0x10000  }
0xc0: {  	[tilespmem:s31], [sflag:$0x1] =	stream.indirect_vreg.gather [hbm4b:s1+s3], $0x80, v3, vm0, $0xb8;
	[tilespmem:$0x18800] =	vst v63  }
0xc1: {  	_ =	swait.ge [sflag:s11], $0x8000  }
0xc2: {  	[sflag:s11] =	ssyncset.done $0x0  }
0xc3: {  	s0 =	rddreg [dreg:$0x5];
	[sflag:s11] =	ssyncadd.s32 $0xFFFF8000  }
0xc4: {  	[hbm4b:s0+s3] =	stream.linear.scatter [tilespmem:s22], [sflag:$0x2], $0x8000, $0x38;
	[tilespmem:$0x18800] =	vst v63  }
0xc5: {  	v3 =	vld [tilespmem:$0x100];
	_ =	sdelay $0x4  }
0xc6: {  	v8 =	vshll.u32 v3, $0x1  }
0xc7: {  	v3 =	vand.u32 $0x7, v3;
	v4 =	vand.u32 $0xFFFFFFF0, v8  }
0xc8: {  	v3 =	vor.u32 v3, v4  }
0xc9: {  	v4 =	vperm.xlane v3, v0;
	_ =	sdelay $0x1  }
0xca: {  	v3 =	vperm.xlane v3, v2;
	v4 =	vadd.s32 v1, v4;
	_ =	sdelay $0x1  }
0xcb: {  	v3 =	vadd.s32 v1, v3;
	_ =	sdelay $0x1  }
0xcc: {  	s0 =	simm.s32 $0x10800  }
0xcd: {  	[tilespmem:s0], [sflag:$0x1] =	stream.indirect_vreg.gather [hbm4b:s1+s3], $0x80, v4, vm0, $0xb8;
	[tilespmem:$0x18800] =	vst v63  }
0xce: {  	s31 =	simm.s32 $0x11000  }
0xcf: {  	[tilespmem:s31], [sflag:$0x1] =	stream.indirect_vreg.gather [hbm4b:s1+s3], $0x80, v3, vm0, $0xb8;
	[tilespmem:$0x18800] =	vst v63  }
0xd0: {  	v3 =	vld [tilespmem:$0x110];
	_ =	sdelay $0x4  }
0xd1: {  	v9 =	vshll.u32 v3, $0x1  }
0xd2: {  	v3 =	vand.u32 $0x7, v3;
	v4 =	vand.u32 $0xFFFFFFF0, v9  }
0xd3: {  	v3 =	vor.u32 v3, v4  }
0xd4: {  	v4 =	vperm.xlane v3, v0;
	_ =	sdelay $0x1  }
0xd5: {  	v3 =	vperm.xlane v3, v2;
	v4 =	vadd.s32 v1, v4;
	_ =	sdelay $0x1  }
0xd6: {  	v3 =	vadd.s32 v1, v3;
	_ =	sdelay $0x1  }
0xd7: {  	s31 =	simm.s32 $0x11800  }
0xd8: {  	[tilespmem:s31], [sflag:$0x1] =	stream.indirect_vreg.gather [hbm4b:s1+s3], $0x80, v4, vm0, $0xb8;
	[tilespmem:$0x18800] =	vst v63  }
0xd9: {  	s31 =	simm.s32 $0x12000  }
0xda: {  	[tilespmem:s31], [sflag:$0x1] =	stream.indirect_vreg.gather [hbm4b:s1+s3], $0x80, v3, vm0, $0xb8;
	[tilespmem:$0x18800] =	vst v63  }
0xdb: {  	v3 =	vld [tilespmem:$0x120];
	_ =	sdelay $0x4  }
0xdc: {  	v10 =	vshll.u32 v3, $0x1  }
0xdd: {  	v3 =	vand.u32 $0x7, v3;
	v4 =	vand.u32 $0xFFFFFFF0, v10  }
0xde: {  	v3 =	vor.u32 v3, v4  }
0xdf: {  	v4 =	vperm.xlane v3, v0;
	_ =	sdelay $0x1  }
0xe0: {  	v3 =	vperm.xlane v3, v2;
	v4 =	vadd.s32 v1, v4;
	_ =	sdelay $0x1  }
0xe1: {  	v3 =	vadd.s32 v1, v3;
	_ =	sdelay $0x1  }
0xe2: {  	s31 =	simm.s32 $0x12800  }
0xe3: {  	[tilespmem:s31], [sflag:$0x1] =	stream.indirect_vreg.gather [hbm4b:s1+s3], $0x80, v4, vm0, $0xb8;
	[tilespmem:$0x18800] =	vst v63  }
0xe4: {  	s31 =	simm.s32 $0x13000  }
0xe5: {  	[tilespmem:s31], [sflag:$0x1] =	stream.indirect_vreg.gather [hbm4b:s1+s3], $0x80, v3, vm0, $0xb8;
	[tilespmem:$0x18800] =	vst v63  }
0xe6: {  	v3 =	vld [tilespmem:$0x130];
	_ =	sdelay $0x4  }
0xe7: {  	v11 =	vshll.u32 v3, $0x1  }
0xe8: {  	v3 =	vand.u32 $0x7, v3;
	v4 =	vand.u32 $0xFFFFFFF0, v11  }
0xe9: {  	v3 =	vor.u32 v3, v4  }
0xea: {  	v4 =	vperm.xlane v3, v0;
	_ =	sdelay $0x1  }
0xeb: {  	v3 =	vperm.xlane v3, v2;
	v4 =	vadd.s32 v1, v4;
	_ =	sdelay $0x1  }
0xec: {  	v3 =	vadd.s32 v1, v3;
	_ =	sdelay $0x1  }
0xed: {  	s31 =	simm.s32 $0x13800  }
0xee: {  	[tilespmem:s31], [sflag:$0x1] =	stream.indirect_vreg.gather [hbm4b:s1+s3], $0x80, v4, vm0, $0xb8;
	[tilespmem:$0x18800] =	vst v63  }
0xef: {  	s31 =	simm.s32 $0x14000  }
0xf0: {  	[tilespmem:s31], [sflag:$0x1] =	stream.indirect_vreg.gather [hbm4b:s1+s3], $0x80, v3, vm0, $0xb8;
	[tilespmem:$0x18800] =	vst v63  }
0xf1: {  	v3 =	vld [tilespmem:$0x140];
	_ =	sdelay $0x4  }
0xf2: {  	v12 =	vshll.u32 v3, $0x1  }
0xf3: {  	v3 =	vand.u32 $0x7, v3;
	v4 =	vand.u32 $0xFFFFFFF0, v12  }
0xf4: {  	v3 =	vor.u32 v3, v4  }
0xf5: {  	v4 =	vperm.xlane v3, v0;
	_ =	sdelay $0x1  }
0xf6: {  	v3 =	vperm.xlane v3, v2;
	v4 =	vadd.s32 v1, v4;
	_ =	sdelay $0x1  }
0xf7: {  	v3 =	vadd.s32 v1, v3;
	_ =	sdelay $0x1  }
0xf8: {  	s31 =	simm.s32 $0x14800  }
0xf9: {  	[tilespmem:s31], [sflag:$0x1] =	stream.indirect_vreg.gather [hbm4b:s1+s3], $0x80, v4, vm0, $0xb8;
	[tilespmem:$0x18800] =	vst v63  }
0xfa: {  	s31 =	simm.s32 $0x15000  }
0xfb: {  	[tilespmem:s31], [sflag:$0x1] =	stream.indirect_vreg.gather [hbm4b:s1+s3], $0x80, v3, vm0, $0xb8;
	[tilespmem:$0x18800] =	vst v63  }
0xfc: {  	v3 =	vld [tilespmem:$0x150];
	_ =	sdelay $0x4  }
0xfd: {  	v13 =	vshll.u32 v3, $0x1  }
0xfe: {  	v3 =	vand.u32 $0x7, v3;
	v4 =	vand.u32 $0xFFFFFFF0, v13  }
0xff: {  	v3 =	vor.u32 v3, v4  }
0x100: {  	v4 =	vperm.xlane v3, v0;
	_ =	sdelay $0x1  }
0x101: {  	v3 =	vperm.xlane v3, v2;
	v4 =	vadd.s32 v1, v4;
	_ =	sdelay $0x1  }
0x102: {  	v3 =	vadd.s32 v1, v3;
	_ =	sdelay $0x1  }
0x103: {  	s31 =	simm.s32 $0x15800  }
0x104: {  	[tilespmem:s31], [sflag:$0x1] =	stream.indirect_vreg.gather [hbm4b:s1+s3], $0x80, v4, vm0, $0xb8;
	[tilespmem:$0x18800] =	vst v63  }
0x105: {  	s31 =	simm.s32 $0x16000  }
0x106: {  	[tilespmem:s31], [sflag:$0x1] =	stream.indirect_vreg.gather [hbm4b:s1+s3], $0x80, v3, vm0, $0xb8;
	[tilespmem:$0x18800] =	vst v63  }
0x107: {  	v3 =	vld [tilespmem:$0x160];
	_ =	sdelay $0x4  }
0x108: {  	v14 =	vshll.u32 v3, $0x1  }
0x109: {  	v3 =	vand.u32 $0x7, v3;
	v4 =	vand.u32 $0xFFFFFFF0, v14  }
0x10a: {  	v3 =	vor.u32 v3, v4  }
0x10b: {  	v4 =	vperm.xlane v3, v0;
	_ =	sdelay $0x1  }
0x10c: {  	v3 =	vperm.xlane v3, v2;
	v4 =	vadd.s32 v1, v4;
	_ =	sdelay $0x1  }
0x10d: {  	v3 =	vadd.s32 v1, v3;
	_ =	sdelay $0x1  }
0x10e: {  	s31 =	simm.s32 $0x16800  }
0x10f: {  	[tilespmem:s31], [sflag:$0x1] =	stream.indirect_vreg.gather [hbm4b:s1+s3], $0x80, v4, vm0, $0xb8;
	[tilespmem:$0x18800] =	vst v63  }
0x110: {  	s31 =	simm.s32 $0x17000  }
0x111: {  	[tilespmem:s31], [sflag:$0x1] =	stream.indirect_vreg.gather [hbm4b:s1+s3], $0x80, v3, vm0, $0xb8;
	[tilespmem:$0x18800] =	vst v63  }
0x112: {  	v3 =	vld [tilespmem:$0x170];
	_ =	sdelay $0x4  }
0x113: {  	v15 =	vshll.u32 v3, $0x1  }
0x114: {  	v3 =	vand.u32 $0x7, v3;
	v4 =	vand.u32 $0xFFFFFFF0, v15  }
0x115: {  	v3 =	vor.u32 v3, v4  }
0x116: {  	v4 =	vperm.xlane v3, v0;
	_ =	sdelay $0x1  }
0x117: {  	v3 =	vperm.xlane v3, v2;
	v4 =	vadd.s32 v1, v4;
	_ =	sdelay $0x1  }
0x118: {  	v3 =	vadd.s32 v1, v3;
	_ =	sdelay $0x1  }
0x119: {  	s31 =	simm.s32 $0x17800  }
0x11a: {  	[tilespmem:s31], [sflag:$0x1] =	stream.indirect_vreg.gather [hbm4b:s1+s3], $0x80, v4, vm0, $0xb8;
	[tilespmem:$0x18800] =	vst v63  }
0x11b: {  	s31 =	simm.s32 $0x18000  }
0x11c: {  	[tilespmem:s31], [sflag:$0x1] =	stream.indirect_vreg.gather [hbm4b:s1+s3], $0x80, v3, vm0, $0xb8;
	[tilespmem:$0x18800] =	vst v63  }
0x11d: {  	_ =	swait.ge [sflag:s11], $0x8000  }
0x11e: {  	[sflag:s11] =	ssyncset.done $0x0  }
0x11f: {  	s31 =	rddreg [dreg:$0x6];
	[sflag:s11] =	ssyncadd.s32 $0xFFFF8000  }
0x120: {  	[hbm4b:s31+s3] =	stream.linear.scatter [tilespmem:s12], [sflag:$0x2], $0x8000, $0x38;
	[tilespmem:$0x18800] =	vst v63  }
0x121: {  	_ =	swait.ge [sflag:s30], $0x8000  }
0x122: {  	[sflag:s30] =	ssyncset.done $0x0  }
0x123: {  	[sflag:s30] =	ssyncadd.s32 $0xFFFF8000  }
0x124: {  	v3 =	vld [tilespmem:$0x180];
	_ =	sdelay $0x4  }
0x125: {  	v16 =	vshll.u32 v3, $0x1  }
0x126: {  	v3 =	vand.u32 $0x7, v3;
	v4 =	vand.u32 $0xFFFFFFF0, v16  }
0x127: {  	v3 =	vor.u32 v3, v4  }
0x128: {  	v4 =	vperm.xlane v3, v0;
	_ =	sdelay $0x1  }
0x129: {  	v3 =	vperm.xlane v3, v2;
	v4 =	vadd.s32 v1, v4;
	_ =	sdelay $0x1  }
0x12a: {  	v3 =	vadd.s32 v1, v3;
	_ =	sdelay $0x2  }
0x12b: {  	[tilespmem:s22], [sflag:$0x1] =	stream.indirect_vreg.gather [hbm4b:s1+s3], $0x80, v4, vm0, $0xb8;
	[tilespmem:$0x18800] =	vst v63  }
0x12c: {  	_ = 	snop  }
0x12d: {  	[tilespmem:s2], [sflag:$0x1] =	stream.indirect_vreg.gather [hbm4b:s1+s3], $0x80, v3, vm0, $0xb8;
	[tilespmem:$0x18800] =	vst v63  }
0x12e: {  	v3 =	vld [tilespmem:$0x190];
	_ =	sdelay $0x4  }
0x12f: {  	v17 =	vshll.u32 v3, $0x1  }
0x130: {  	v3 =	vand.u32 $0x7, v3;
	v4 =	vand.u32 $0xFFFFFFF0, v17  }
0x131: {  	v3 =	vor.u32 v3, v4  }
0x132: {  	v4 =	vperm.xlane v3, v0;
	_ =	sdelay $0x1  }
0x133: {  	v3 =	vperm.xlane v3, v2;
	v4 =	vadd.s32 v1, v4;
	_ =	sdelay $0x1  }
0x134: {  	v3 =	vadd.s32 v1, v3;
	_ =	sdelay $0x2  }
0x135: {  	[tilespmem:s6], [sflag:$0x1] =	stream.indirect_vreg.gather [hbm4b:s1+s3], $0x80, v4, vm0, $0xb8;
	[tilespmem:$0x18800] =	vst v63  }
0x136: {  	_ = 	snop  }
0x137: {  	[tilespmem:s5], [sflag:$0x1] =	stream.indirect_vreg.gather [hbm4b:s1+s3], $0x80, v3, vm0, $0xb8;
	[tilespmem:$0x18800] =	vst v63  }
0x138: {  	v3 =	vld [tilespmem:$0x1A0];
	_ =	sdelay $0x4  }
0x139: {  	v18 =	vshll.u32 v3, $0x1  }
0x13a: {  	v3 =	vand.u32 $0x7, v3;
	v4 =	vand.u32 $0xFFFFFFF0, v18  }
0x13b: {  	v3 =	vor.u32 v3, v4  }
0x13c: {  	v4 =	vperm.xlane v3, v0;
	_ =	sdelay $0x1  }
0x13d: {  	v3 =	vperm.xlane v3, v2;
	v4 =	vadd.s32 v1, v4;
	_ =	sdelay $0x1  }
0x13e: {  	v3 =	vadd.s32 v1, v3;
	_ =	sdelay $0x2  }
0x13f: {  	[tilespmem:s7], [sflag:$0x1] =	stream.indirect_vreg.gather [hbm4b:s1+s3], $0x80, v4, vm0, $0xb8;
	[tilespmem:$0x18800] =	vst v63  }
0x140: {  	_ = 	snop  }
0x141: {  	[tilespmem:s8], [sflag:$0x1] =	stream.indirect_vreg.gather [hbm4b:s1+s3], $0x80, v3, vm0, $0xb8;
	[tilespmem:$0x18800] =	vst v63  }
0x142: {  	v3 =	vld [tilespmem:$0x1B0];
	_ =	sdelay $0x4  }
0x143: {  	v19 =	vshll.u32 v3, $0x1  }
0x144: {  	v3 =	vand.u32 $0x7, v3;
	v4 =	vand.u32 $0xFFFFFFF0, v19  }
0x145: {  	v3 =	vor.u32 v3, v4  }
0x146: {  	v4 =	vperm.xlane v3, v0;
	_ =	sdelay $0x1  }
0x147: {  	v3 =	vperm.xlane v3, v2;
	v4 =	vadd.s32 v1, v4;
	_ =	sdelay $0x1  }
0x148: {  	v3 =	vadd.s32 v1, v3;
	_ =	sdelay $0x2  }
0x149: {  	[tilespmem:s9], [sflag:$0x1] =	stream.indirect_vreg.gather [hbm4b:s1+s3], $0x80, v4, vm0, $0xb8;
	[tilespmem:$0x18800] =	vst v63  }
0x14a: {  	_ = 	snop  }
0x14b: {  	[tilespmem:s10], [sflag:$0x1] =	stream.indirect_vreg.gather [hbm4b:s1+s3], $0x80, v3, vm0, $0xb8;
	[tilespmem:$0x18800] =	vst v63  }
0x14c: {  	v3 =	vld [tilespmem:$0x1C0];
	_ =	sdelay $0x4  }
0x14d: {  	v20 =	vshll.u32 v3, $0x1  }
0x14e: {  	v3 =	vand.u32 $0x7, v3;
	v4 =	vand.u32 $0xFFFFFFF0, v20  }
0x14f: {  	v3 =	vor.u32 v3, v4  }
0x150: {  	v4 =	vperm.xlane v3, v0;
	_ =	sdelay $0x1  }
0x151: {  	v3 =	vperm.xlane v3, v2;
	v4 =	vadd.s32 v1, v4;
	_ =	sdelay $0x1  }
0x152: {  	v3 =	vadd.s32 v1, v3;
	_ =	sdelay $0x2  }
0x153: {  	[tilespmem:s13], [sflag:$0x1] =	stream.indirect_vreg.gather [hbm4b:s1+s3], $0x80, v4, vm0, $0xb8;
	[tilespmem:$0x18800] =	vst v63  }
0x154: {  	_ = 	snop  }
0x155: {  	[tilespmem:s14], [sflag:$0x1] =	stream.indirect_vreg.gather [hbm4b:s1+s3], $0x80, v3, vm0, $0xb8;
	[tilespmem:$0x18800] =	vst v63  }
0x156: {  	v3 =	vld [tilespmem:$0x1D0];
	_ =	sdelay $0x4  }
0x157: {  	v21 =	vshll.u32 v3, $0x1  }
0x158: {  	v3 =	vand.u32 $0x7, v3;
	v4 =	vand.u32 $0xFFFFFFF0, v21  }
0x159: {  	v3 =	vor.u32 v3, v4  }
0x15a: {  	v4 =	vperm.xlane v3, v0;
	_ =	sdelay $0x1  }
0x15b: {  	v3 =	vperm.xlane v3, v2;
	v4 =	vadd.s32 v1, v4;
	_ =	sdelay $0x1  }
0x15c: {  	v3 =	vadd.s32 v1, v3;
	_ =	sdelay $0x2  }
0x15d: {  	[tilespmem:s15], [sflag:$0x1] =	stream.indirect_vreg.gather [hbm4b:s1+s3], $0x80, v4, vm0, $0xb8;
	[tilespmem:$0x18800] =	vst v63  }
0x15e: {  	_ = 	snop  }
0x15f: {  	[tilespmem:s16], [sflag:$0x1] =	stream.indirect_vreg.gather [hbm4b:s1+s3], $0x80, v3, vm0, $0xb8;
	[tilespmem:$0x18800] =	vst v63  }
0x160: {  	v3 =	vld [tilespmem:$0x1E0];
	_ =	sdelay $0x4  }
0x161: {  	v22 =	vshll.u32 v3, $0x1  }
0x162: {  	v3 =	vand.u32 $0x7, v3;
	v4 =	vand.u32 $0xFFFFFFF0, v22  }
0x163: {  	v3 =	vor.u32 v3, v4  }
0x164: {  	v4 =	vperm.xlane v3, v0;
	_ =	sdelay $0x1  }
0x165: {  	v3 =	vperm.xlane v3, v2;
	v4 =	vadd.s32 v1, v4;
	_ =	sdelay $0x1  }
0x166: {  	v3 =	vadd.s32 v1, v3;
	_ =	sdelay $0x2  }
0x167: {  	[tilespmem:s17], [sflag:$0x1] =	stream.indirect_vreg.gather [hbm4b:s1+s3], $0x80, v4, vm0, $0xb8;
	[tilespmem:$0x18800] =	vst v63  }
0x168: {  	_ = 	snop  }
0x169: {  	[tilespmem:s18], [sflag:$0x1] =	stream.indirect_vreg.gather [hbm4b:s1+s3], $0x80, v3, vm0, $0xb8;
	[tilespmem:$0x18800] =	vst v63  }
0x16a: {  	v3 =	vld [tilespmem:$0x1F0];
	_ =	sdelay $0x4  }
0x16b: {  	v23 =	vshll.u32 v3, $0x1  }
0x16c: {  	v3 =	vand.u32 $0x7, v3;
	v4 =	vand.u32 $0xFFFFFFF0, v23  }
0x16d: {  	v3 =	vor.u32 v3, v4  }
0x16e: {  	v4 =	vperm.xlane v3, v0;
	_ =	sdelay $0x1  }
0x16f: {  	v3 =	vperm.xlane v3, v2;
	v4 =	vadd.s32 v1, v4;
	_ =	sdelay $0x1  }
0x170: {  	v3 =	vadd.s32 v1, v3;
	_ =	sdelay $0x2  }
0x171: {  	[tilespmem:s19], [sflag:$0x1] =	stream.indirect_vreg.gather [hbm4b:s1+s3], $0x80, v4, vm0, $0xb8;
	[tilespmem:$0x18800] =	vst v63  }
0x172: {  	_ = 	snop  }
0x173: {  	[tilespmem:s20], [sflag:$0x1] =	stream.indirect_vreg.gather [hbm4b:s1+s3], $0x80, v3, vm0, $0xb8;
	[tilespmem:$0x18800] =	vst v63  }
0x174: {  	_ =	swait.ge [sflag:s11], $0x8000  }
0x175: {  	[sflag:s11] =	ssyncset.done $0x0  }
0x176: {  	s31 =	rddreg [dreg:$0x7];
	[sflag:s11] =	ssyncadd.s32 $0xFFFF8000  }
0x177: {  	[hbm4b:s31+s3] =	stream.linear.scatter [tilespmem:s0], [sflag:$0x2], $0x8000, $0x38;
	[tilespmem:$0x18800] =	vst v63  }
0x178: {  	_ =	swait.ge [sflag:s30], $0x8000  }
0x179: {  	[sflag:s30] =	ssyncset.done $0x0  }
0x17a: {  	[sflag:s30] =	ssyncadd.s32 $0xFFFF8000  }
0x17b: {  	v3 =	vld [tilespmem:$0x200];
	_ =	sdelay $0x4  }
0x17c: {  	v24 =	vshll.u32 v3, $0x1  }
0x17d: {  	v3 =	vand.u32 $0x7, v3;
	v4 =	vand.u32 $0xFFFFFFF0, v24  }
0x17e: {  	v3 =	vor.u32 v3, v4  }
0x17f: {  	v4 =	vperm.xlane v3, v0;
	_ =	sdelay $0x1  }
0x180: {  	v3 =	vperm.xlane v3, v2;
	v4 =	vadd.s32 v1, v4;
	_ =	sdelay $0x1  }
0x181: {  	v3 =	vadd.s32 v1, v3;
	_ =	sdelay $0x2  }
0x182: {  	[tilespmem:s12], [sflag:$0x1] =	stream.indirect_vreg.gather [hbm4b:s1+s3], $0x80, v4, vm0, $0xb8;
	[tilespmem:$0x18800] =	vst v63  }
0x183: {  	_ = 	snop  }
0x184: {  	[tilespmem:s21], [sflag:$0x1] =	stream.indirect_vreg.gather [hbm4b:s1+s3], $0x80, v3, vm0, $0xb8;
	[tilespmem:$0x18800] =	vst v63  }
0x185: {  	v3 =	vld [tilespmem:$0x210];
	_ =	sdelay $0x4  }
0x186: {  	v25 =	vshll.u32 v3, $0x1  }
0x187: {  	v3 =	vand.u32 $0x7, v3;
	v4 =	vand.u32 $0xFFFFFFF0, v25  }
0x188: {  	v3 =	vor.u32 v3, v4  }
0x189: {  	v4 =	vperm.xlane v3, v0;
	_ =	sdelay $0x1  }
0x18a: {  	v3 =	vperm.xlane v3, v2;
	v4 =	vadd.s32 v1, v4;
	_ =	sdelay $0x1  }
0x18b: {  	v3 =	vadd.s32 v1, v3;
	_ =	sdelay $0x2  }
0x18c: {  	[tilespmem:s23], [sflag:$0x1] =	stream.indirect_vreg.gather [hbm4b:s1+s3], $0x80, v4, vm0, $0xb8;
	[tilespmem:$0x18800] =	vst v63  }
0x18d: {  	_ = 	snop  }
0x18e: {  	[tilespmem:s24], [sflag:$0x1] =	stream.indirect_vreg.gather [hbm4b:s1+s3], $0x80, v3, vm0, $0xb8;
	[tilespmem:$0x18800] =	vst v63  }
0x18f: {  	v3 =	vld [tilespmem:$0x220];
	_ =	sdelay $0x4  }
0x190: {  	v26 =	vshll.u32 v3, $0x1  }
0x191: {  	v3 =	vand.u32 $0x7, v3;
	v4 =	vand.u32 $0xFFFFFFF0, v26  }
0x192: {  	v3 =	vor.u32 v3, v4  }
0x193: {  	v4 =	vperm.xlane v3, v0;
	_ =	sdelay $0x1  }
0x194: {  	v3 =	vperm.xlane v3, v2;
	v4 =	vadd.s32 v1, v4;
	_ =	sdelay $0x1  }
0x195: {  	v3 =	vadd.s32 v1, v3;
	_ =	sdelay $0x2  }
0x196: {  	[tilespmem:s25], [sflag:$0x1] =	stream.indirect_vreg.gather [hbm4b:s1+s3], $0x80, v4, vm0, $0xb8;
	[tilespmem:$0x18800] =	vst v63  }
0x197: {  	_ = 	snop  }
0x198: {  	[tilespmem:s26], [sflag:$0x1] =	stream.indirect_vreg.gather [hbm4b:s1+s3], $0x80, v3, vm0, $0xb8;
	[tilespmem:$0x18800] =	vst v63  }
0x199: {  	v3 =	vld [tilespmem:$0x230];
	_ =	sdelay $0x4  }
0x19a: {  	v27 =	vshll.u32 v3, $0x1  }
0x19b: {  	v3 =	vand.u32 $0x7, v3;
	v4 =	vand.u32 $0xFFFFFFF0, v27  }
0x19c: {  	v3 =	vor.u32 v3, v4  }
0x19d: {  	v4 =	vperm.xlane v3, v0;
	_ =	sdelay $0x1  }
0x19e: {  	v3 =	vperm.xlane v3, v2;
	v4 =	vadd.s32 v1, v4;
	_ =	sdelay $0x1  }
0x19f: {  	v3 =	vadd.s32 v1, v3;
	_ =	sdelay $0x2  }
0x1a0: {  	[tilespmem:s28], [sflag:$0x1] =	stream.indirect_vreg.gather [hbm4b:s1+s3], $0x80, v4, vm0, $0xb8;
	[tilespmem:$0x18800] =	vst v63  }
0x1a1: {  	_ = 	snop  }
0x1a2: {  	[tilespmem:s29], [sflag:$0x1] =	stream.indirect_vreg.gather [hbm4b:s1+s3], $0x80, v3, vm0, $0xb8;
	[tilespmem:$0x18800] =	vst v63  }
0x1a3: {  	v3 =	vld [tilespmem:$0x240];
	_ =	sdelay $0x4  }
0x1a4: {  	v28 =	vshll.u32 v3, $0x1  }
0x1a5: {  	v3 =	vand.u32 $0x7, v3;
	v4 =	vand.u32 $0xFFFFFFF0, v28  }
0x1a6: {  	v3 =	vor.u32 v3, v4  }
0x1a7: {  	v4 =	vperm.xlane v3, v0;
	_ =	sdelay $0x1  }
0x1a8: {  	v3 =	vperm.xlane v3, v2;
	v4 =	vadd.s32 v1, v4;
	_ =	sdelay $0x1  }
0x1a9: {  	v3 =	vadd.s32 v1, v3;
	_ =	sdelay $0x1  }
0x1aa: {  	s31 =	simm.s32 $0xC800  }
0x1ab: {  	[tilespmem:s31], [sflag:$0x1] =	stream.indirect_vreg.gather [hbm4b:s1+s3], $0x80, v4, vm0, $0xb8;
	[tilespmem:$0x18800] =	vst v63  }
0x1ac: {  	s31 =	simm.s32 $0xD000  }
0x1ad: {  	[tilespmem:s31], [sflag:$0x1] =	stream.indirect_vreg.gather [hbm4b:s1+s3], $0x80, v3, vm0, $0xb8;
	[tilespmem:$0x18800] =	vst v63  }
0x1ae: {  	v3 =	vld [tilespmem:$0x250];
	_ =	sdelay $0x4  }
0x1af: {  	v29 =	vshll.u32 v3, $0x1  }
0x1b0: {  	v3 =	vand.u32 $0x7, v3;
	v4 =	vand.u32 $0xFFFFFFF0, v29  }
0x1b1: {  	v3 =	vor.u32 v3, v4  }
0x1b2: {  	v4 =	vperm.xlane v3, v0;
	_ =	sdelay $0x1  }
0x1b3: {  	v3 =	vperm.xlane v3, v2;
	v4 =	vadd.s32 v1, v4;
	_ =	sdelay $0x1  }
0x1b4: {  	v3 =	vadd.s32 v1, v3;
	_ =	sdelay $0x1  }
0x1b5: {  	s31 =	simm.s32 $0xD800  }
0x1b6: {  	[tilespmem:s31], [sflag:$0x1] =	stream.indirect_vreg.gather [hbm4b:s1+s3], $0x80, v4, vm0, $0xb8;
	[tilespmem:$0x18800] =	vst v63  }
0x1b7: {  	s31 =	simm.s32 $0xE000  }
0x1b8: {  	[tilespmem:s31], [sflag:$0x1] =	stream.indirect_vreg.gather [hbm4b:s1+s3], $0x80, v3, vm0, $0xb8;
	[tilespmem:$0x18800] =	vst v63  }
0x1b9: {  	v3 =	vld [tilespmem:$0x260];
	_ =	sdelay $0x4  }
0x1ba: {  	v30 =	vshll.u32 v3, $0x1  }
0x1bb: {  	v3 =	vand.u32 $0x7, v3;
	v4 =	vand.u32 $0xFFFFFFF0, v30  }
0x1bc: {  	v3 =	vor.u32 v3, v4  }
0x1bd: {  	v4 =	vperm.xlane v3, v0;
	_ =	sdelay $0x1  }
0x1be: {  	v3 =	vperm.xlane v3, v2;
	v4 =	vadd.s32 v1, v4;
	_ =	sdelay $0x1  }
0x1bf: {  	v3 =	vadd.s32 v1, v3;
	_ =	sdelay $0x1  }
0x1c0: {  	s31 =	simm.s32 $0xE800  }
0x1c1: {  	[tilespmem:s31], [sflag:$0x1] =	stream.indirect_vreg.gather [hbm4b:s1+s3], $0x80, v4, vm0, $0xb8;
	[tilespmem:$0x18800] =	vst v63  }
0x1c2: {  	s31 =	simm.s32 $0xF000  }
0x1c3: {  	[tilespmem:s31], [sflag:$0x1] =	stream.indirect_vreg.gather [hbm4b:s1+s3], $0x80, v3, vm0, $0xb8;
	[tilespmem:$0x18800] =	vst v63  }
0x1c4: {  	v3 =	vld [tilespmem:$0x270];
	_ =	sdelay $0x4  }
0x1c5: {  	v31 =	vshll.u32 v3, $0x1  }
0x1c6: {  	v3 =	vand.u32 $0x7, v3;
	v4 =	vand.u32 $0xFFFFFFF0, v31  }
0x1c7: {  	v3 =	vor.u32 v3, v4  }
0x1c8: {  	v4 =	vperm.xlane v3, v0;
	_ =	sdelay $0x1  }
0x1c9: {  	v3 =	vperm.xlane v3, v2;
	v4 =	vadd.s32 v1, v4;
	_ =	sdelay $0x1  }
0x1ca: {  	v3 =	vadd.s32 v1, v3;
	_ =	sdelay $0x1  }
0x1cb: {  	s31 =	simm.s32 $0xF800  }
0x1cc: {  	[tilespmem:s31], [sflag:$0x1] =	stream.indirect_vreg.gather [hbm4b:s1+s3], $0x80, v4, vm0, $0xb8;
	[tilespmem:$0x18800] =	vst v63  }
0x1cd: {  	s31 =	simm.s32 $0x10000  }
0x1ce: {  	[tilespmem:s31], [sflag:$0x1] =	stream.indirect_vreg.gather [hbm4b:s1+s3], $0x80, v3, vm0, $0xb8;
	[tilespmem:$0x18800] =	vst v63  }
0x1cf: {  	_ =	swait.ge [sflag:s11], $0x8000  }
0x1d0: {  	[sflag:s11] =	ssyncset.done $0x0  }
0x1d1: {  	s31 =	rddreg [dreg:$0x8];
	[sflag:s11] =	ssyncadd.s32 $0xFFFF8000  }
0x1d2: {  	[hbm4b:s31+s3] =	stream.linear.scatter [tilespmem:s22], [sflag:$0x2], $0x8000, $0x38;
	[tilespmem:$0x18800] =	vst v63  }
0x1d3: {  	_ =	swait.ge [sflag:s30], $0x8000  }
0x1d4: {  	[sflag:s30] =	ssyncset.done $0x0  }
0x1d5: {  	[sflag:s30] =	ssyncadd.s32 $0xFFFF8000  }
0x1d6: {  	v3 =	vld [tilespmem:$0x280];
	_ =	sdelay $0x4  }
0x1d7: {  	v32 =	vshll.u32 v3, $0x1  }
0x1d8: {  	v3 =	vand.u32 $0x7, v3;
	v4 =	vand.u32 $0xFFFFFFF0, v32  }
0x1d9: {  	v3 =	vor.u32 v3, v4  }
0x1da: {  	v4 =	vperm.xlane v3, v0;
	_ =	sdelay $0x1  }
0x1db: {  	v3 =	vperm.xlane v3, v2;
	v4 =	vadd.s32 v1, v4;
	_ =	sdelay $0x1  }
0x1dc: {  	v3 =	vadd.s32 v1, v3;
	_ =	sdelay $0x2  }
0x1dd: {  	[tilespmem:s0], [sflag:$0x1] =	stream.indirect_vreg.gather [hbm4b:s1+s3], $0x80, v4, vm0, $0xb8;
	[tilespmem:$0x18800] =	vst v63  }
0x1de: {  	s31 =	simm.s32 $0x11000  }
0x1df: {  	[tilespmem:s31], [sflag:$0x1] =	stream.indirect_vreg.gather [hbm4b:s1+s3], $0x80, v3, vm0, $0xb8;
	[tilespmem:$0x18800] =	vst v63  }
0x1e0: {  	v3 =	vld [tilespmem:$0x290];
	_ =	sdelay $0x4  }
0x1e1: {  	v33 =	vshll.u32 v3, $0x1  }
0x1e2: {  	v3 =	vand.u32 $0x7, v3;
	v4 =	vand.u32 $0xFFFFFFF0, v33  }
0x1e3: {  	v3 =	vor.u32 v3, v4  }
0x1e4: {  	v4 =	vperm.xlane v3, v0;
	_ =	sdelay $0x1  }
0x1e5: {  	v3 =	vperm.xlane v3, v2;
	v4 =	vadd.s32 v1, v4;
	_ =	sdelay $0x1  }
0x1e6: {  	v3 =	vadd.s32 v1, v3;
	_ =	sdelay $0x1  }
0x1e7: {  	s31 =	simm.s32 $0x11800  }
0x1e8: {  	[tilespmem:s31], [sflag:$0x1] =	stream.indirect_vreg.gather [hbm4b:s1+s3], $0x80, v4, vm0, $0xb8;
	[tilespmem:$0x18800] =	vst v63  }
0x1e9: {  	s31 =	simm.s32 $0x12000  }
0x1ea: {  	[tilespmem:s31], [sflag:$0x1] =	stream.indirect_vreg.gather [hbm4b:s1+s3], $0x80, v3, vm0, $0xb8;
	[tilespmem:$0x18800] =	vst v63  }
0x1eb: {  	v3 =	vld [tilespmem:$0x2A0];
	_ =	sdelay $0x4  }
0x1ec: {  	v34 =	vshll.u32 v3, $0x1  }
0x1ed: {  	v3 =	vand.u32 $0x7, v3;
	v4 =	vand.u32 $0xFFFFFFF0, v34  }
0x1ee: {  	v3 =	vor.u32 v3, v4  }
0x1ef: {  	v4 =	vperm.xlane v3, v0;
	_ =	sdelay $0x1  }
0x1f0: {  	v3 =	vperm.xlane v3, v2;
	v4 =	vadd.s32 v1, v4;
	_ =	sdelay $0x1  }
0x1f1: {  	v3 =	vadd.s32 v1, v3;
	_ =	sdelay $0x1  }
0x1f2: {  	s31 =	simm.s32 $0x12800  }
0x1f3: {  	[tilespmem:s31], [sflag:$0x1] =	stream.indirect_vreg.gather [hbm4b:s1+s3], $0x80, v4, vm0, $0xb8;
	[tilespmem:$0x18800] =	vst v63  }
0x1f4: {  	s31 =	simm.s32 $0x13000  }
0x1f5: {  	[tilespmem:s31], [sflag:$0x1] =	stream.indirect_vreg.gather [hbm4b:s1+s3], $0x80, v3, vm0, $0xb8;
	[tilespmem:$0x18800] =	vst v63  }
0x1f6: {  	v3 =	vld [tilespmem:$0x2B0];
	_ =	sdelay $0x4  }
0x1f7: {  	v35 =	vshll.u32 v3, $0x1  }
0x1f8: {  	v3 =	vand.u32 $0x7, v3;
	v4 =	vand.u32 $0xFFFFFFF0, v35  }
0x1f9: {  	v3 =	vor.u32 v3, v4  }
0x1fa: {  	v4 =	vperm.xlane v3, v0;
	_ =	sdelay $0x1  }
0x1fb: {  	v3 =	vperm.xlane v3, v2;
	v4 =	vadd.s32 v1, v4;
	_ =	sdelay $0x1  }
0x1fc: {  	v3 =	vadd.s32 v1, v3;
	_ =	sdelay $0x1  }
0x1fd: {  	s31 =	simm.s32 $0x13800  }
0x1fe: {  	[tilespmem:s31], [sflag:$0x1] =	stream.indirect_vreg.gather [hbm4b:s1+s3], $0x80, v4, vm0, $0xb8;
	[tilespmem:$0x18800] =	vst v63  }
0x1ff: {  	s31 =	simm.s32 $0x14000  }
0x200: {  	[tilespmem:s31], [sflag:$0x1] =	stream.indirect_vreg.gather [hbm4b:s1+s3], $0x80, v3, vm0, $0xb8;
	[tilespmem:$0x18800] =	vst v63  }
0x201: {  	v3 =	vld [tilespmem:$0x2C0];
	_ =	sdelay $0x4  }
0x202: {  	v36 =	vshll.u32 v3, $0x1  }
0x203: {  	v3 =	vand.u32 $0x7, v3;
	v4 =	vand.u32 $0xFFFFFFF0, v36  }
0x204: {  	v3 =	vor.u32 v3, v4  }
0x205: {  	v4 =	vperm.xlane v3, v0;
	_ =	sdelay $0x1  }
0x206: {  	v3 =	vperm.xlane v3, v2;
	v4 =	vadd.s32 v1, v4;
	_ =	sdelay $0x1  }
0x207: {  	v3 =	vadd.s32 v1, v3;
	_ =	sdelay $0x1  }
0x208: {  	s31 =	simm.s32 $0x14800  }
0x209: {  	[tilespmem:s31], [sflag:$0x1] =	stream.indirect_vreg.gather [hbm4b:s1+s3], $0x80, v4, vm0, $0xb8;
	[tilespmem:$0x18800] =	vst v63  }
0x20a: {  	s31 =	simm.s32 $0x15000  }
0x20b: {  	[tilespmem:s31], [sflag:$0x1] =	stream.indirect_vreg.gather [hbm4b:s1+s3], $0x80, v3, vm0, $0xb8;
	[tilespmem:$0x18800] =	vst v63  }
0x20c: {  	v3 =	vld [tilespmem:$0x2D0];
	_ =	sdelay $0x4  }
0x20d: {  	v37 =	vshll.u32 v3, $0x1  }
0x20e: {  	v3 =	vand.u32 $0x7, v3;
	v4 =	vand.u32 $0xFFFFFFF0, v37  }
0x20f: {  	v3 =	vor.u32 v3, v4  }
0x210: {  	v4 =	vperm.xlane v3, v0;
	_ =	sdelay $0x1  }
0x211: {  	v3 =	vperm.xlane v3, v2;
	v4 =	vadd.s32 v1, v4;
	_ =	sdelay $0x1  }
0x212: {  	v3 =	vadd.s32 v1, v3;
	_ =	sdelay $0x1  }
0x213: {  	s31 =	simm.s32 $0x15800  }
0x214: {  	[tilespmem:s31], [sflag:$0x1] =	stream.indirect_vreg.gather [hbm4b:s1+s3], $0x80, v4, vm0, $0xb8;
	[tilespmem:$0x18800] =	vst v63  }
0x215: {  	s31 =	simm.s32 $0x16000  }
0x216: {  	[tilespmem:s31], [sflag:$0x1] =	stream.indirect_vreg.gather [hbm4b:s1+s3], $0x80, v3, vm0, $0xb8;
	[tilespmem:$0x18800] =	vst v63  }
0x217: {  	v3 =	vld [tilespmem:$0x2E0];
	_ =	sdelay $0x4  }
0x218: {  	v38 =	vshll.u32 v3, $0x1  }
0x219: {  	v3 =	vand.u32 $0x7, v3;
	v4 =	vand.u32 $0xFFFFFFF0, v38  }
0x21a: {  	v3 =	vor.u32 v3, v4  }
0x21b: {  	v4 =	vperm.xlane v3, v0;
	_ =	sdelay $0x1  }
0x21c: {  	v3 =	vperm.xlane v3, v2;
	v4 =	vadd.s32 v1, v4;
	_ =	sdelay $0x1  }
0x21d: {  	v3 =	vadd.s32 v1, v3;
	_ =	sdelay $0x1  }
0x21e: {  	s31 =	simm.s32 $0x16800  }
0x21f: {  	[tilespmem:s31], [sflag:$0x1] =	stream.indirect_vreg.gather [hbm4b:s1+s3], $0x80, v4, vm0, $0xb8;
	[tilespmem:$0x18800] =	vst v63  }
0x220: {  	s31 =	simm.s32 $0x17000  }
0x221: {  	[tilespmem:s31], [sflag:$0x1] =	stream.indirect_vreg.gather [hbm4b:s1+s3], $0x80, v3, vm0, $0xb8;
	[tilespmem:$0x18800] =	vst v63  }
0x222: {  	v3 =	vld [tilespmem:$0x2F0];
	_ =	sdelay $0x4  }
0x223: {  	v39 =	vshll.u32 v3, $0x1  }
0x224: {  	v3 =	vand.u32 $0x7, v3;
	v4 =	vand.u32 $0xFFFFFFF0, v39  }
0x225: {  	v3 =	vor.u32 v3, v4  }
0x226: {  	v4 =	vperm.xlane v3, v0;
	_ =	sdelay $0x1  }
0x227: {  	v3 =	vperm.xlane v3, v2;
	v4 =	vadd.s32 v1, v4;
	_ =	sdelay $0x1  }
0x228: {  	v3 =	vadd.s32 v1, v3;
	_ =	sdelay $0x1  }
0x229: {  	s31 =	simm.s32 $0x17800  }
0x22a: {  	[tilespmem:s31], [sflag:$0x1] =	stream.indirect_vreg.gather [hbm4b:s1+s3], $0x80, v4, vm0, $0xb8;
	[tilespmem:$0x18800] =	vst v63  }
0x22b: {  	s31 =	simm.s32 $0x18000  }
0x22c: {  	[tilespmem:s31], [sflag:$0x1] =	stream.indirect_vreg.gather [hbm4b:s1+s3], $0x80, v3, vm0, $0xb8;
	[tilespmem:$0x18800] =	vst v63  }
0x22d: {  	_ =	swait.ge [sflag:s11], $0x8000  }
0x22e: {  	[sflag:s11] =	ssyncset.done $0x0  }
0x22f: {  	s31 =	rddreg [dreg:$0x9];
	[sflag:s11] =	ssyncadd.s32 $0xFFFF8000  }
0x230: {  	[hbm4b:s31+s3] =	stream.linear.scatter [tilespmem:s12], [sflag:$0x2], $0x8000, $0x38;
	[tilespmem:$0x18800] =	vst v63  }
0x231: {  	_ =	swait.ge [sflag:s30], $0x8000  }
0x232: {  	[sflag:s30] =	ssyncset.done $0x0  }
0x233: {  	[sflag:s30] =	ssyncadd.s32 $0xFFFF8000  }
0x234: {  	v3 =	vld [tilespmem:$0x300];
	_ =	sdelay $0x4  }
0x235: {  	v40 =	vshll.u32 v3, $0x1  }
0x236: {  	v3 =	vand.u32 $0x7, v3;
	v4 =	vand.u32 $0xFFFFFFF0, v40  }
0x237: {  	v3 =	vor.u32 v3, v4  }
0x238: {  	v4 =	vperm.xlane v3, v0;
	_ =	sdelay $0x1  }
0x239: {  	v3 =	vperm.xlane v3, v2;
	v4 =	vadd.s32 v1, v4;
	_ =	sdelay $0x1  }
0x23a: {  	v3 =	vadd.s32 v1, v3;
	_ =	sdelay $0x2  }
0x23b: {  	[tilespmem:s22], [sflag:$0x1] =	stream.indirect_vreg.gather [hbm4b:s1+s3], $0x80, v4, vm0, $0xb8;
	[tilespmem:$0x18800] =	vst v63  }
0x23c: {  	_ = 	snop  }
0x23d: {  	[tilespmem:s2], [sflag:$0x1] =	stream.indirect_vreg.gather [hbm4b:s1+s3], $0x80, v3, vm0, $0xb8;
	[tilespmem:$0x18800] =	vst v63  }
0x23e: {  	v3 =	vld [tilespmem:$0x310];
	_ =	sdelay $0x4  }
0x23f: {  	v41 =	vshll.u32 v3, $0x1  }
0x240: {  	v3 =	vand.u32 $0x7, v3;
	v4 =	vand.u32 $0xFFFFFFF0, v41  }
0x241: {  	v3 =	vor.u32 v3, v4  }
0x242: {  	v4 =	vperm.xlane v3, v0;
	_ =	sdelay $0x1  }
0x243: {  	v3 =	vperm.xlane v3, v2;
	v4 =	vadd.s32 v1, v4;
	_ =	sdelay $0x1  }
0x244: {  	v3 =	vadd.s32 v1, v3;
	_ =	sdelay $0x2  }
0x245: {  	[tilespmem:s6], [sflag:$0x1] =	stream.indirect_vreg.gather [hbm4b:s1+s3], $0x80, v4, vm0, $0xb8;
	[tilespmem:$0x18800] =	vst v63  }
0x246: {  	_ = 	snop  }
0x247: {  	[tilespmem:s5], [sflag:$0x1] =	stream.indirect_vreg.gather [hbm4b:s1+s3], $0x80, v3, vm0, $0xb8;
	[tilespmem:$0x18800] =	vst v63  }
0x248: {  	v3 =	vld [tilespmem:$0x320];
	_ =	sdelay $0x4  }
0x249: {  	v42 =	vshll.u32 v3, $0x1  }
0x24a: {  	v3 =	vand.u32 $0x7, v3;
	v4 =	vand.u32 $0xFFFFFFF0, v42  }
0x24b: {  	v3 =	vor.u32 v3, v4  }
0x24c: {  	v4 =	vperm.xlane v3, v0;
	_ =	sdelay $0x1  }
0x24d: {  	v3 =	vperm.xlane v3, v2;
	v4 =	vadd.s32 v1, v4;
	_ =	sdelay $0x1  }
0x24e: {  	v3 =	vadd.s32 v1, v3;
	_ =	sdelay $0x2  }
0x24f: {  	[tilespmem:s7], [sflag:$0x1] =	stream.indirect_vreg.gather [hbm4b:s1+s3], $0x80, v4, vm0, $0xb8;
	[tilespmem:$0x18800] =	vst v63  }
0x250: {  	_ = 	snop  }
0x251: {  	[tilespmem:s8], [sflag:$0x1] =	stream.indirect_vreg.gather [hbm4b:s1+s3], $0x80, v3, vm0, $0xb8;
	[tilespmem:$0x18800] =	vst v63  }
0x252: {  	v3 =	vld [tilespmem:$0x330];
	_ =	sdelay $0x4  }
0x253: {  	v43 =	vshll.u32 v3, $0x1  }
0x254: {  	v3 =	vand.u32 $0x7, v3;
	v4 =	vand.u32 $0xFFFFFFF0, v43  }
0x255: {  	v3 =	vor.u32 v3, v4  }
0x256: {  	v4 =	vperm.xlane v3, v0;
	_ =	sdelay $0x1  }
0x257: {  	v3 =	vperm.xlane v3, v2;
	v4 =	vadd.s32 v1, v4;
	_ =	sdelay $0x1  }
0x258: {  	v3 =	vadd.s32 v1, v3;
	_ =	sdelay $0x2  }
0x259: {  	[tilespmem:s9], [sflag:$0x1] =	stream.indirect_vreg.gather [hbm4b:s1+s3], $0x80, v4, vm0, $0xb8;
	[tilespmem:$0x18800] =	vst v63  }
0x25a: {  	_ = 	snop  }
0x25b: {  	[tilespmem:s10], [sflag:$0x1] =	stream.indirect_vreg.gather [hbm4b:s1+s3], $0x80, v3, vm0, $0xb8;
	[tilespmem:$0x18800] =	vst v63  }
0x25c: {  	v3 =	vld [tilespmem:$0x340];
	_ =	sdelay $0x4  }
0x25d: {  	v44 =	vshll.u32 v3, $0x1  }
0x25e: {  	v3 =	vand.u32 $0x7, v3;
	v4 =	vand.u32 $0xFFFFFFF0, v44  }
0x25f: {  	v3 =	vor.u32 v3, v4  }
0x260: {  	v4 =	vperm.xlane v3, v0;
	_ =	sdelay $0x1  }
0x261: {  	v3 =	vperm.xlane v3, v2;
	v4 =	vadd.s32 v1, v4;
	_ =	sdelay $0x1  }
0x262: {  	v3 =	vadd.s32 v1, v3;
	_ =	sdelay $0x2  }
0x263: {  	[tilespmem:s13], [sflag:$0x1] =	stream.indirect_vreg.gather [hbm4b:s1+s3], $0x80, v4, vm0, $0xb8;
	[tilespmem:$0x18800] =	vst v63  }
0x264: {  	_ = 	snop  }
0x265: {  	[tilespmem:s14], [sflag:$0x1] =	stream.indirect_vreg.gather [hbm4b:s1+s3], $0x80, v3, vm0, $0xb8;
	[tilespmem:$0x18800] =	vst v63  }
0x266: {  	v3 =	vld [tilespmem:$0x350];
	_ =	sdelay $0x4  }
0x267: {  	v45 =	vshll.u32 v3, $0x1  }
0x268: {  	v3 =	vand.u32 $0x7, v3;
	v4 =	vand.u32 $0xFFFFFFF0, v45  }
0x269: {  	v3 =	vor.u32 v3, v4  }
0x26a: {  	v4 =	vperm.xlane v3, v0;
	_ =	sdelay $0x1  }
0x26b: {  	v3 =	vperm.xlane v3, v2;
	v4 =	vadd.s32 v1, v4;
	_ =	sdelay $0x1  }
0x26c: {  	v3 =	vadd.s32 v1, v3;
	_ =	sdelay $0x2  }
0x26d: {  	[tilespmem:s15], [sflag:$0x1] =	stream.indirect_vreg.gather [hbm4b:s1+s3], $0x80, v4, vm0, $0xb8;
	[tilespmem:$0x18800] =	vst v63  }
0x26e: {  	_ = 	snop  }
0x26f: {  	[tilespmem:s16], [sflag:$0x1] =	stream.indirect_vreg.gather [hbm4b:s1+s3], $0x80, v3, vm0, $0xb8;
	[tilespmem:$0x18800] =	vst v63  }
0x270: {  	v3 =	vld [tilespmem:$0x360];
	_ =	sdelay $0x4  }
0x271: {  	v46 =	vshll.u32 v3, $0x1  }
0x272: {  	v3 =	vand.u32 $0x7, v3;
	v4 =	vand.u32 $0xFFFFFFF0, v46  }
0x273: {  	v3 =	vor.u32 v3, v4  }
0x274: {  	v4 =	vperm.xlane v3, v0;
	_ =	sdelay $0x1  }
0x275: {  	v3 =	vperm.xlane v3, v2;
	v4 =	vadd.s32 v1, v4;
	_ =	sdelay $0x1  }
0x276: {  	v3 =	vadd.s32 v1, v3;
	_ =	sdelay $0x2  }
0x277: {  	[tilespmem:s17], [sflag:$0x1] =	stream.indirect_vreg.gather [hbm4b:s1+s3], $0x80, v4, vm0, $0xb8;
	[tilespmem:$0x18800] =	vst v63  }
0x278: {  	_ = 	snop  }
0x279: {  	[tilespmem:s18], [sflag:$0x1] =	stream.indirect_vreg.gather [hbm4b:s1+s3], $0x80, v3, vm0, $0xb8;
	[tilespmem:$0x18800] =	vst v63  }
0x27a: {  	v3 =	vld [tilespmem:$0x370];
	_ =	sdelay $0x4  }
0x27b: {  	v47 =	vshll.u32 v3, $0x1  }
0x27c: {  	v3 =	vand.u32 $0x7, v3;
	v4 =	vand.u32 $0xFFFFFFF0, v47  }
0x27d: {  	v3 =	vor.u32 v3, v4  }
0x27e: {  	v4 =	vperm.xlane v3, v0;
	_ =	sdelay $0x1  }
0x27f: {  	v3 =	vperm.xlane v3, v2;
	v4 =	vadd.s32 v1, v4;
	_ =	sdelay $0x1  }
0x280: {  	v3 =	vadd.s32 v1, v3;
	_ =	sdelay $0x2  }
0x281: {  	[tilespmem:s19], [sflag:$0x1] =	stream.indirect_vreg.gather [hbm4b:s1+s3], $0x80, v4, vm0, $0xb8;
	[tilespmem:$0x18800] =	vst v63  }
0x282: {  	_ = 	snop  }
0x283: {  	[tilespmem:s20], [sflag:$0x1] =	stream.indirect_vreg.gather [hbm4b:s1+s3], $0x80, v3, vm0, $0xb8;
	[tilespmem:$0x18800] =	vst v63  }
0x284: {  	_ =	swait.ge [sflag:s11], $0x8000  }
0x285: {  	[sflag:s11] =	ssyncset.done $0x0  }
0x286: {  	s2 =	rddreg [dreg:$0xa];
	[sflag:s11] =	ssyncadd.s32 $0xFFFF8000  }
0x287: {  	[hbm4b:s2+s3] =	stream.linear.scatter [tilespmem:s0], [sflag:$0x2], $0x8000, $0x38;
	[tilespmem:$0x18800] =	vst v63  }
0x288: {  	_ =	swait.ge [sflag:s30], $0x8000  }
0x289: {  	[sflag:s30] =	ssyncset.done $0x0  }
0x28a: {  	[sflag:s30] =	ssyncadd.s32 $0xFFFF8000  }
0x28b: {  	v3 =	vld [tilespmem:$0x380];
	_ =	sdelay $0x4  }
0x28c: {  	v48 =	vshll.u32 v3, $0x1  }
0x28d: {  	v3 =	vand.u32 $0x7, v3;
	v4 =	vand.u32 $0xFFFFFFF0, v48  }
0x28e: {  	v3 =	vor.u32 v3, v4  }
0x28f: {  	v4 =	vperm.xlane v3, v0;
	_ =	sdelay $0x1  }
0x290: {  	v3 =	vperm.xlane v3, v2;
	v4 =	vadd.s32 v1, v4;
	_ =	sdelay $0x1  }
0x291: {  	v3 =	vadd.s32 v1, v3;
	_ =	sdelay $0x2  }
0x292: {  	[tilespmem:s12], [sflag:$0x1] =	stream.indirect_vreg.gather [hbm4b:s1+s3], $0x80, v4, vm0, $0xb8;
	[tilespmem:$0x18800] =	vst v63  }
0x293: {  	_ = 	snop  }
0x294: {  	[tilespmem:s21], [sflag:$0x1] =	stream.indirect_vreg.gather [hbm4b:s1+s3], $0x80, v3, vm0, $0xb8;
	[tilespmem:$0x18800] =	vst v63  }
0x295: {  	v3 =	vld [tilespmem:$0x390];
	_ =	sdelay $0x4  }
0x296: {  	v49 =	vshll.u32 v3, $0x1  }
0x297: {  	v3 =	vand.u32 $0x7, v3;
	v4 =	vand.u32 $0xFFFFFFF0, v49  }
0x298: {  	v3 =	vor.u32 v3, v4  }
0x299: {  	v4 =	vperm.xlane v3, v0;
	_ =	sdelay $0x1  }
0x29a: {  	v3 =	vperm.xlane v3, v2;
	v4 =	vadd.s32 v1, v4;
	_ =	sdelay $0x1  }
0x29b: {  	v3 =	vadd.s32 v1, v3;
	_ =	sdelay $0x2  }
0x29c: {  	[tilespmem:s23], [sflag:$0x1] =	stream.indirect_vreg.gather [hbm4b:s1+s3], $0x80, v4, vm0, $0xb8;
	[tilespmem:$0x18800] =	vst v63  }
0x29d: {  	_ = 	snop  }
0x29e: {  	[tilespmem:s24], [sflag:$0x1] =	stream.indirect_vreg.gather [hbm4b:s1+s3], $0x80, v3, vm0, $0xb8;
	[tilespmem:$0x18800] =	vst v63  }
0x29f: {  	v3 =	vld [tilespmem:$0x3A0];
	_ =	sdelay $0x4  }
0x2a0: {  	v50 =	vshll.u32 v3, $0x1  }
0x2a1: {  	v3 =	vand.u32 $0x7, v3;
	v4 =	vand.u32 $0xFFFFFFF0, v50  }
0x2a2: {  	v3 =	vor.u32 v3, v4  }
0x2a3: {  	v4 =	vperm.xlane v3, v0;
	_ =	sdelay $0x1  }
0x2a4: {  	v3 =	vperm.xlane v3, v2;
	v4 =	vadd.s32 v1, v4;
	_ =	sdelay $0x1  }
0x2a5: {  	v3 =	vadd.s32 v1, v3;
	_ =	sdelay $0x2  }
0x2a6: {  	[tilespmem:s25], [sflag:$0x1] =	stream.indirect_vreg.gather [hbm4b:s1+s3], $0x80, v4, vm0, $0xb8;
	[tilespmem:$0x18800] =	vst v63  }
0x2a7: {  	_ = 	snop  }
0x2a8: {  	[tilespmem:s26], [sflag:$0x1] =	stream.indirect_vreg.gather [hbm4b:s1+s3], $0x80, v3, vm0, $0xb8;
	[tilespmem:$0x18800] =	vst v63  }
0x2a9: {  	v3 =	vld [tilespmem:$0x3B0];
	_ =	sdelay $0x4  }
0x2aa: {  	v51 =	vshll.u32 v3, $0x1  }
0x2ab: {  	v3 =	vand.u32 $0x7, v3;
	v4 =	vand.u32 $0xFFFFFFF0, v51  }
0x2ac: {  	v3 =	vor.u32 v3, v4  }
0x2ad: {  	v4 =	vperm.xlane v3, v0;
	_ =	sdelay $0x1  }
0x2ae: {  	v3 =	vperm.xlane v3, v2;
	v4 =	vadd.s32 v1, v4;
	_ =	sdelay $0x1  }
0x2af: {  	v3 =	vadd.s32 v1, v3;
	_ =	sdelay $0x2  }
0x2b0: {  	[tilespmem:s28], [sflag:$0x1] =	stream.indirect_vreg.gather [hbm4b:s1+s3], $0x80, v4, vm0, $0xb8;
	[tilespmem:$0x18800] =	vst v63  }
0x2b1: {  	_ = 	snop  }
0x2b2: {  	[tilespmem:s29], [sflag:$0x1] =	stream.indirect_vreg.gather [hbm4b:s1+s3], $0x80, v3, vm0, $0xb8;
	[tilespmem:$0x18800] =	vst v63  }
0x2b3: {  	v3 =	vld [tilespmem:$0x3C0];
	_ =	sdelay $0x4  }
0x2b4: {  	v52 =	vshll.u32 v3, $0x1  }
0x2b5: {  	v3 =	vand.u32 $0x7, v3;
	v4 =	vand.u32 $0xFFFFFFF0, v52  }
0x2b6: {  	v3 =	vor.u32 v3, v4  }
0x2b7: {  	v4 =	vperm.xlane v3, v0;
	_ =	sdelay $0x1  }
0x2b8: {  	v3 =	vperm.xlane v3, v2;
	v4 =	vadd.s32 v1, v4;
	_ =	sdelay $0x1  }
0x2b9: {  	v3 =	vadd.s32 v1, v3;
	_ =	sdelay $0x1  }
0x2ba: {  	s31 =	simm.s32 $0xC800  }
0x2bb: {  	[tilespmem:s31], [sflag:$0x1] =	stream.indirect_vreg.gather [hbm4b:s1+s3], $0x80, v4, vm0, $0xb8;
	[tilespmem:$0x18800] =	vst v63  }
0x2bc: {  	s31 =	simm.s32 $0xD000  }
0x2bd: {  	[tilespmem:s31], [sflag:$0x1] =	stream.indirect_vreg.gather [hbm4b:s1+s3], $0x80, v3, vm0, $0xb8;
	[tilespmem:$0x18800] =	vst v63  }
0x2be: {  	v3 =	vld [tilespmem:$0x3D0];
	_ =	sdelay $0x4  }
0x2bf: {  	v53 =	vshll.u32 v3, $0x1  }
0x2c0: {  	v3 =	vand.u32 $0x7, v3;
	v4 =	vand.u32 $0xFFFFFFF0, v53  }
0x2c1: {  	v3 =	vor.u32 v3, v4  }
0x2c2: {  	v4 =	vperm.xlane v3, v0;
	_ =	sdelay $0x1  }
0x2c3: {  	v3 =	vperm.xlane v3, v2;
	v4 =	vadd.s32 v1, v4;
	_ =	sdelay $0x1  }
0x2c4: {  	v3 =	vadd.s32 v1, v3;
	_ =	sdelay $0x1  }
0x2c5: {  	s31 =	simm.s32 $0xD800  }
0x2c6: {  	[tilespmem:s31], [sflag:$0x1] =	stream.indirect_vreg.gather [hbm4b:s1+s3], $0x80, v4, vm0, $0xb8;
	[tilespmem:$0x18800] =	vst v63  }
0x2c7: {  	s31 =	simm.s32 $0xE000  }
0x2c8: {  	[tilespmem:s31], [sflag:$0x1] =	stream.indirect_vreg.gather [hbm4b:s1+s3], $0x80, v3, vm0, $0xb8;
	[tilespmem:$0x18800] =	vst v63  }
0x2c9: {  	v3 =	vld [tilespmem:$0x3E0];
	_ =	sdelay $0x4  }
0x2ca: {  	v54 =	vshll.u32 v3, $0x1  }
0x2cb: {  	v3 =	vand.u32 $0x7, v3;
	v4 =	vand.u32 $0xFFFFFFF0, v54  }
0x2cc: {  	v3 =	vor.u32 v3, v4  }
0x2cd: {  	v4 =	vperm.xlane v3, v0;
	_ =	sdelay $0x1  }
0x2ce: {  	v3 =	vperm.xlane v3, v2;
	v4 =	vadd.s32 v1, v4;
	_ =	sdelay $0x1  }
0x2cf: {  	v3 =	vadd.s32 v1, v3;
	_ =	sdelay $0x1  }
0x2d0: {  	s31 =	simm.s32 $0xE800  }
0x2d1: {  	[tilespmem:s31], [sflag:$0x1] =	stream.indirect_vreg.gather [hbm4b:s1+s3], $0x80, v4, vm0, $0xb8;
	[tilespmem:$0x18800] =	vst v63  }
0x2d2: {  	s31 =	simm.s32 $0xF000  }
0x2d3: {  	[tilespmem:s31], [sflag:$0x1] =	stream.indirect_vreg.gather [hbm4b:s1+s3], $0x80, v3, vm0, $0xb8;
	[tilespmem:$0x18800] =	vst v63  }
0x2d4: {  	v3 =	vld [tilespmem:$0x3F0];
	_ =	sdelay $0x4  }
0x2d5: {  	v55 =	vshll.u32 v3, $0x1  }
0x2d6: {  	v3 =	vand.u32 $0x7, v3;
	v4 =	vand.u32 $0xFFFFFFF0, v55  }
0x2d7: {  	v3 =	vor.u32 v3, v4  }
0x2d8: {  	v4 =	vperm.xlane v3, v0;
	_ =	sdelay $0x1  }
0x2d9: {  	v3 =	vperm.xlane v3, v2;
	v4 =	vadd.s32 v1, v4;
	_ =	sdelay $0x1  }
0x2da: {  	v3 =	vadd.s32 v1, v3;
	_ =	sdelay $0x1  }
0x2db: {  	s31 =	simm.s32 $0xF800  }
0x2dc: {  	[tilespmem:s31], [sflag:$0x1] =	stream.indirect_vreg.gather [hbm4b:s1+s3], $0x80, v4, vm0, $0xb8;
	[tilespmem:$0x18800] =	vst v63  }
0x2dd: {  	s31 =	simm.s32 $0x10000  }
0x2de: {  	[tilespmem:s31], [sflag:$0x1] =	stream.indirect_vreg.gather [hbm4b:s1+s3], $0x80, v3, vm0, $0xb8;
	[tilespmem:$0x18800] =	vst v63  }
0x2df: {  	_ =	swait.ge [sflag:s11], $0x8000  }
0x2e0: {  	[sflag:s11] =	ssyncset.done $0x0  }
0x2e1: {  	s2 =	rddreg [dreg:$0xb];
	[sflag:s11] =	ssyncadd.s32 $0xFFFF8000  }
0x2e2: {  	[hbm4b:s2+s3] =	stream.linear.scatter [tilespmem:s22], [sflag:$0x2], $0x8000, $0x38;
	[tilespmem:$0x18800] =	vst v63  }
0x2e3: {  	_ =	swait.ge [sflag:s30], $0x8000  }
0x2e4: {  	[sflag:s30] =	ssyncset.done $0x0  }
0x2e5: {  	[sflag:s30] =	ssyncadd.s32 $0xFFFF8000  }
0x2e6: {  	v3 =	vld [tilespmem:$0x400];
	_ =	sdelay $0x4  }
0x2e7: {  	v56 =	vshll.u32 v3, $0x1  }
0x2e8: {  	v3 =	vand.u32 $0x7, v3;
	v4 =	vand.u32 $0xFFFFFFF0, v56  }
0x2e9: {  	v3 =	vor.u32 v3, v4  }
0x2ea: {  	v4 =	vperm.xlane v3, v0;
	_ =	sdelay $0x1  }
0x2eb: {  	v3 =	vperm.xlane v3, v2;
	v4 =	vadd.s32 v1, v4;
	_ =	sdelay $0x1  }
0x2ec: {  	v3 =	vadd.s32 v1, v3;
	_ =	sdelay $0x2  }
0x2ed: {  	[tilespmem:s0], [sflag:$0x1] =	stream.indirect_vreg.gather [hbm4b:s1+s3], $0x80, v4, vm0, $0xb8;
	[tilespmem:$0x18800] =	vst v63  }
0x2ee: {  	s31 =	simm.s32 $0x11000  }
0x2ef: {  	[tilespmem:s31], [sflag:$0x1] =	stream.indirect_vreg.gather [hbm4b:s1+s3], $0x80, v3, vm0, $0xb8;
	[tilespmem:$0x18800] =	vst v63  }
0x2f0: {  	v3 =	vld [tilespmem:$0x410];
	_ =	sdelay $0x4  }
0x2f1: {  	v57 =	vshll.u32 v3, $0x1  }
0x2f2: {  	v3 =	vand.u32 $0x7, v3;
	v4 =	vand.u32 $0xFFFFFFF0, v57  }
0x2f3: {  	v3 =	vor.u32 v3, v4  }
0x2f4: {  	v4 =	vperm.xlane v3, v0;
	_ =	sdelay $0x1  }
0x2f5: {  	v3 =	vperm.xlane v3, v2;
	v4 =	vadd.s32 v1, v4;
	_ =	sdelay $0x1  }
0x2f6: {  	v3 =	vadd.s32 v1, v3;
	_ =	sdelay $0x1  }
0x2f7: {  	s31 =	simm.s32 $0x11800  }
0x2f8: {  	[tilespmem:s31], [sflag:$0x1] =	stream.indirect_vreg.gather [hbm4b:s1+s3], $0x80, v4, vm0, $0xb8;
	[tilespmem:$0x18800] =	vst v63  }
0x2f9: {  	s31 =	simm.s32 $0x12000  }
0x2fa: {  	[tilespmem:s31], [sflag:$0x1] =	stream.indirect_vreg.gather [hbm4b:s1+s3], $0x80, v3, vm0, $0xb8;
	[tilespmem:$0x18800] =	vst v63  }
0x2fb: {  	v3 =	vld [tilespmem:$0x420];
	_ =	sdelay $0x4  }
0x2fc: {  	v58 =	vshll.u32 v3, $0x1  }
0x2fd: {  	v3 =	vand.u32 $0x7, v3;
	v4 =	vand.u32 $0xFFFFFFF0, v58  }
0x2fe: {  	v3 =	vor.u32 v3, v4  }
0x2ff: {  	v4 =	vperm.xlane v3, v0;
	_ =	sdelay $0x1  }
0x300: {  	v3 =	vperm.xlane v3, v2;
	v4 =	vadd.s32 v1, v4;
	_ =	sdelay $0x1  }
0x301: {  	v3 =	vadd.s32 v1, v3;
	_ =	sdelay $0x1  }
0x302: {  	s31 =	simm.s32 $0x12800  }
0x303: {  	[tilespmem:s31], [sflag:$0x1] =	stream.indirect_vreg.gather [hbm4b:s1+s3], $0x80, v4, vm0, $0xb8;
	[tilespmem:$0x18800] =	vst v63  }
0x304: {  	s31 =	simm.s32 $0x13000  }
0x305: {  	[tilespmem:s31], [sflag:$0x1] =	stream.indirect_vreg.gather [hbm4b:s1+s3], $0x80, v3, vm0, $0xb8;
	[tilespmem:$0x18800] =	vst v63  }
0x306: {  	v3 =	vld [tilespmem:$0x430];
	_ =	sdelay $0x4  }
0x307: {  	v59 =	vshll.u32 v3, $0x1  }
0x308: {  	v3 =	vand.u32 $0x7, v3;
	v4 =	vand.u32 $0xFFFFFFF0, v59  }
0x309: {  	v3 =	vor.u32 v3, v4  }
0x30a: {  	v4 =	vperm.xlane v3, v0;
	_ =	sdelay $0x1  }
0x30b: {  	v3 =	vperm.xlane v3, v2;
	v4 =	vadd.s32 v1, v4;
	_ =	sdelay $0x1  }
0x30c: {  	v3 =	vadd.s32 v1, v3;
	_ =	sdelay $0x1  }
0x30d: {  	s31 =	simm.s32 $0x13800  }
0x30e: {  	[tilespmem:s31], [sflag:$0x1] =	stream.indirect_vreg.gather [hbm4b:s1+s3], $0x80, v4, vm0, $0xb8;
	[tilespmem:$0x18800] =	vst v63  }
0x30f: {  	s31 =	simm.s32 $0x14000  }
0x310: {  	[tilespmem:s31], [sflag:$0x1] =	stream.indirect_vreg.gather [hbm4b:s1+s3], $0x80, v3, vm0, $0xb8;
	[tilespmem:$0x18800] =	vst v63  }
0x311: {  	v3 =	vld [tilespmem:$0x440];
	_ =	sdelay $0x4  }
0x312: {  	v60 =	vshll.u32 v3, $0x1  }
0x313: {  	v3 =	vand.u32 $0x7, v3;
	v4 =	vand.u32 $0xFFFFFFF0, v60  }
0x314: {  	v3 =	vor.u32 v3, v4  }
0x315: {  	v4 =	vperm.xlane v3, v0;
	_ =	sdelay $0x1  }
0x316: {  	v3 =	vperm.xlane v3, v2;
	v4 =	vadd.s32 v1, v4;
	_ =	sdelay $0x1  }
0x317: {  	v3 =	vadd.s32 v1, v3;
	_ =	sdelay $0x1  }
0x318: {  	s31 =	simm.s32 $0x14800  }
0x319: {  	[tilespmem:s31], [sflag:$0x1] =	stream.indirect_vreg.gather [hbm4b:s1+s3], $0x80, v4, vm0, $0xb8;
	[tilespmem:$0x18800] =	vst v63  }
0x31a: {  	s31 =	simm.s32 $0x15000  }
0x31b: {  	[tilespmem:s31], [sflag:$0x1] =	stream.indirect_vreg.gather [hbm4b:s1+s3], $0x80, v3, vm0, $0xb8;
	[tilespmem:$0x18800] =	vst v63  }
0x31c: {  	v3 =	vld [tilespmem:$0x450];
	_ =	sdelay $0x4  }
0x31d: {  	v61 =	vshll.u32 v3, $0x1  }
0x31e: {  	v3 =	vand.u32 $0x7, v3;
	v4 =	vand.u32 $0xFFFFFFF0, v61  }
0x31f: {  	v3 =	vor.u32 v3, v4  }
0x320: {  	v4 =	vperm.xlane v3, v0;
	_ =	sdelay $0x1  }
0x321: {  	v3 =	vperm.xlane v3, v2;
	v4 =	vadd.s32 v1, v4;
	_ =	sdelay $0x1  }
0x322: {  	v3 =	vadd.s32 v1, v3;
	_ =	sdelay $0x1  }
0x323: {  	s31 =	simm.s32 $0x15800  }
0x324: {  	[tilespmem:s31], [sflag:$0x1] =	stream.indirect_vreg.gather [hbm4b:s1+s3], $0x80, v4, vm0, $0xb8;
	[tilespmem:$0x18800] =	vst v63  }
0x325: {  	s31 =	simm.s32 $0x16000  }
0x326: {  	[tilespmem:s31], [sflag:$0x1] =	stream.indirect_vreg.gather [hbm4b:s1+s3], $0x80, v3, vm0, $0xb8;
	[tilespmem:$0x18800] =	vst v63  }
0x327: {  	v3 =	vld [tilespmem:$0x460];
	_ =	sdelay $0x4  }
0x328: {  	v62 =	vshll.u32 v3, $0x1  }
0x329: {  	v3 =	vand.u32 $0x7, v3;
	v4 =	vand.u32 $0xFFFFFFF0, v62  }
0x32a: {  	v3 =	vor.u32 v3, v4  }
0x32b: {  	v4 =	vperm.xlane v3, v0;
	_ =	sdelay $0x1  }
0x32c: {  	v3 =	vperm.xlane v3, v2;
	v4 =	vadd.s32 v1, v4;
	_ =	sdelay $0x1  }
0x32d: {  	v3 =	vadd.s32 v1, v3;
	_ =	sdelay $0x1  }
0x32e: {  	s31 =	simm.s32 $0x16800  }
0x32f: {  	[tilespmem:s31], [sflag:$0x1] =	stream.indirect_vreg.gather [hbm4b:s1+s3], $0x80, v4, vm0, $0xb8;
	[tilespmem:$0x18800] =	vst v63  }
0x330: {  	s31 =	simm.s32 $0x17000  }
0x331: {  	[tilespmem:s31], [sflag:$0x1] =	stream.indirect_vreg.gather [hbm4b:s1+s3], $0x80, v3, vm0, $0xb8;
	[tilespmem:$0x18800] =	vst v63  }
0x332: {  	v3 =	vld [tilespmem:$0x470];
	_ =	sdelay $0x4  }
0x333: {  	v63 =	vshll.u32 v3, $0x1  }
0x334: {  	v3 =	vand.u32 $0x7, v3;
	v4 =	vand.u32 $0xFFFFFFF0, v63  }
0x335: {  	v3 =	vor.u32 v3, v4  }
0x336: {  	v4 =	vperm.xlane v3, v0;
	_ =	sdelay $0x1  }
0x337: {  	v3 =	vperm.xlane v3, v2;
	v4 =	vadd.s32 v1, v4;
	_ =	sdelay $0x1  }
0x338: {  	v3 =	vadd.s32 v1, v3;
	_ =	sdelay $0x1  }
0x339: {  	s31 =	simm.s32 $0x17800  }
0x33a: {  	[tilespmem:s31], [sflag:$0x1] =	stream.indirect_vreg.gather [hbm4b:s1+s3], $0x80, v4, vm0, $0xb8;
	[tilespmem:$0x18800] =	vst v63  }
0x33b: {  	s31 =	simm.s32 $0x18000  }
0x33c: {  	[tilespmem:s31], [sflag:$0x1] =	stream.indirect_vreg.gather [hbm4b:s1+s3], $0x80, v3, vm0, $0xb8;
	[tilespmem:$0x18800] =	vst v63  }
0x33d: {  	_ =	swait.ge [sflag:s11], $0x8000  }
0x33e: {  	[sflag:s11] =	ssyncset.done $0x0  }
0x33f: {  	s2 =	rddreg [dreg:$0xc];
	[sflag:s11] =	ssyncadd.s32 $0xFFFF8000  }
0x340: {  	[hbm4b:s2+s3] =	stream.linear.scatter [tilespmem:s12], [sflag:$0x2], $0x8000, $0x38;
	[tilespmem:$0x18800] =	vst v63  }
0x341: {  	_ =	swait.ge [sflag:s11], $0x8000  }
0x342: {  	[sflag:s11] =	ssyncset.done $0x0  }
0x343: {  	s2 =	rddreg [dreg:$0xd];
	[sflag:s11] =	ssyncadd.s32 $0xFFFF8000  }
0x344: {  	[hbm4b:s2+s3] =	stream.linear.scatter [tilespmem:s0], [sflag:$0x2], $0x8000, $0x38;
	[tilespmem:$0x18800] =	vst v63  }
0x345: {  	_ =	swait.ge [sflag:s30], $0x8000  }
0x346: {  	[sflag:s30] =	ssyncset.done $0x0  }
0x347: {  	[sflag:s30] =	ssyncadd.s32 $0xFFFF8000  }
0x348: {  	p0 =	sne.s32 s4, $0x1;
	_ =	swait.ge [sflag:s30], $0x8000  }
.Ltmp0:
0x349: {  	[sflag:s30] =	ssyncset.done $0x0;
	(pc) =	sbr.rel @p0 .LBB2_1-.Ltmp0, $4  }
0x34a: {  	[sflag:s30] =	ssyncadd.s32 $0xFFFF8000  }
0x34b: {  	_ =	swait.ge [sflag:s30], $0x8000  }
0x34c: {  	[sflag:s30] =	ssyncset.done $0x0  }
0x34d: {  	s4 =	sadd.s32 $0xFFFFFFFF, s4;
	[sflag:s30] =	ssyncadd.s32 $0xFFFF8000  }
0x34e: {  	_ =	sfence.sel $0x180000  }
0x34f: {  	[bflag:$0x0] =	sbarrier.arrive $0xFFFF  }
0x350: {  	_ =	strace $0x90000047  }
0x351: {  	s0 =	stileid.u32;
	[bflag:$0x2] =	sbarrier.arrive $0xFFFF  }
0x352: {  	p0 =	sne.s32 s0, $0x0;
	s0 =	rddreg [dreg:$0x3]  }
0x353: {  	s0 =	sadd.s32 @!p0 $0x100000, s0  }
0x354: {  	[sflag:s0] =	ssyncadd.tile.s32 @!p0 $0x1;
	_ =	shalt  }
.Lfunc_end2:
_tile_overlayer_lowered:
.L_overlay_start_2:
0x355: {  	(tag) =	ssettag $0x2  }
0x356: {  	s0 =	rddreg [dreg:$0x0];
	s2 =	stileid.u32  }
0x357: {  	s1 =	rddreg [dreg:$0x1];
	p0 =	sne.s32 s2, $0x0  }
0x358: {  	s3 =	rddreg [dreg:$0x2];
	[bflag:$0x3] =	sbarrier.arrive $0xFFFF;
	s2 =	simm.s32 @!p0 $0x1C03  }
0x359: {  	[timem:s3], [sflag:s2] =	dma.local @!p0 [hbm:s0], s1  }
0x35a: {  	s0 =	simm.s32 @!p0 $0x3  }
0x35b: {  	_ =	swait.ge @!p0 [sflag:s0], s1  }
0x35c: {  	s1 =	ssub.s32 @!p0 $0x0, s1;
	[sflag:s0] =	ssyncset.done @!p0 $0x0  }
0x35d: {  	[sflag:s0] =	ssyncadd.s32 @!p0 s1  }
0x35e: {  	[bflag:$0x3] =	sbarrier.arrive $0xFFFF  }
0x35f: {  	_ =	shalt  }

</sc_bundles>
